<compile_context>
chip_gen: v7x
topology: tpu7x:2x2x1
jax: 0.10.2.dev20260603
libtpu: 0.0.44.dev20260713+nightly
codegen_flags: <defaults>
</compile_context>

<pallas_src>
import functools
import math

import jax
import jax.numpy as jnp
from jax import lax
from jax.experimental import pallas as pl
from jax.experimental.pallas import tpu as pltpu
from jax.experimental.pallas import tpu_sc as plsc

N = 4096
S = 16
N_KINDS = 8
N_TYPES = 64
N_LAYERS = 4096
DM = 256
BF = 24
F2 = 2 * BF

NBA = 16
RA = N // NBA
SA = RA * S

NBB = 16
RBB = N // NBB

RC = 16
NCH = RA // RC

SC_NC = 2
SC_NS = 16
NW = SC_NC * SC_NS
BPW = N // NW


def _gelu_exact(x):
    return 0.5 * x * (1.0 + jax.lax.erf(x * (1.0 / math.sqrt(2.0))))


def _gelu_tanh(x):
    c = math.sqrt(2.0 / math.pi)
    return 0.5 * x * (1.0 + jnp.tanh(c * (x + 0.044715 * x * x * x)))


def _mm(a, b):
    return jax.lax.dot_general(a, b, (((1,), (0,)), ((), ())),
                               preferred_element_type=jnp.float32)


NF = 4
RF = (N * S // 8) // NF


def _fourier_kernel(v8_ref, E_ref, Bs_ref, P_ref, vf_ref):
    vrep = _mm(v8_ref[:], E_ref[:])
    t = vrep * Bs_ref[:] + P_ref[:]
    z = 2.0 * (t - jnp.round(t))
    w = z * z
    s = z * (3.1415442432 + w * (-5.1666561447 + w * (2.5437537138
        + w * (-0.5834068137 + w * 0.0647822111))))
    vf_ref[:] = s.astype(jnp.bfloat16)


def _expert_kernel(vals_ref, kf_ref, kfl_ref, maskl_ref, mask2_ref,
                   kemb_ref, W1_ref, b1_ref, W2_ref, b2_ref, hnum_ref):
    f32 = jnp.float32
    bf16 = jnp.bfloat16

    vfb = vals_ref[:]

    kf = kf_ref[:]
    onehot = (kf == jax.lax.broadcasted_iota(jnp.int32, (SA, N_KINDS), 1)).astype(f32)

    grp = jax.lax.broadcasted_iota(jnp.int32, (SA, N_KINDS * F2), 1) // F2
    xk = jnp.where(grp == kf, jnp.concatenate([vfb] * N_KINDS, axis=1),
                   jnp.bfloat16(0.0))
    h1 = _mm(xk, W1_ref[:])
    h1 = h1 + _mm(onehot, b1_ref[:])
    g = _gelu_exact(h1)

    kfl = kfl_ref[0]
    maskl = maskl_ref[0]
    rowsel = jax.lax.broadcasted_iota(jnp.int32, (N_KINDS * RC, 1), 0)
    lane_row = jax.lax.broadcasted_iota(jnp.int32, (1, RC * S), 1) // S
    gb = g.astype(bf16)
    ones_col = jnp.ones((RC * S, 1), bf16)
    G_chunks, hist_chunks = [], []
    for c in range(NCH):
        lo = c * RC * S
        cj = kfl[:, lo:lo + RC * S] * RC + lane_row
        Mw = ((rowsel == cj).astype(bf16)
              * maskl[:, lo:lo + RC * S].astype(bf16))
        G_chunks.append(_mm(Mw, gb[lo:lo + RC * S]))
        hist_chunks.append(_mm(Mw, ones_col))

    hsum = jnp.zeros((RA, DM), f32)
    for k in range(N_KINDS):
        G_k = jnp.concatenate([gc[k * RC:(k + 1) * RC] for gc in G_chunks],
                              axis=0)
        h_k = jnp.concatenate([hc[k * RC:(k + 1) * RC] for hc in hist_chunks],
                              axis=0)
        hsum = hsum + _mm(G_k.astype(bf16), W2_ref[k])
        hsum = hsum + h_k * (b2_ref[k] + kemb_ref[k])[None, :]

    m2 = mask2_ref[:]
    denom = jnp.clip(jnp.sum(m2, axis=1, keepdims=True), 1.0, None)
    hnum_ref[:] = hsum / denom


def _fusion_kernel(hnum_ref, trows_ref, lrows_ref, meta_ref,
                   fW1_ref, fb1_ref, fW2_ref, fb2_ref, mW_ref, mb_ref,
                   out_ref):
    bf16 = jnp.bfloat16
    fW1 = fW1_ref[:].astype(bf16)
    z = (_mm(hnum_ref[:].astype(bf16), fW1[0:DM])
         + _mm(trows_ref[:].astype(bf16), fW1[DM:2 * DM])
         + _mm(lrows_ref[:].astype(bf16), fW1[2 * DM:3 * DM]) + fb1_ref[:])
    z = _gelu_exact(z)
    fh = _mm(z.astype(bf16), fW2_ref[:].astype(bf16)) + fb2_ref[:]
    out_ref[:] = fh + _mm(meta_ref[:], mW_ref[:]) + mb_ref[:]


@functools.partial(
    pl.kernel,
    mesh=plsc.VectorSubcoreMesh(core_axis_name="c", subcore_axis_name="s"),
    out_type=[jax.ShapeDtypeStruct((N, DM), jnp.float32),
              jax.ShapeDtypeStruct((N, DM), jnp.float32)],
    scratch_types=[
        pltpu.VMEM((BPW,), jnp.int32),
        pltpu.VMEM((BPW, DM), jnp.float32),
        pltpu.SemaphoreType.DMA,
    ],
)
def _emb_gather(temb_hbm, lemb_hbm, pt_hbm, lid_hbm, trows_hbm, lrows_hbm,
                idx_v, rows_v, sem):
    wid = lax.axis_index("s") * SC_NC + lax.axis_index("c")
    base = wid * BPW
    pltpu.sync_copy(pt_hbm.at[pl.ds(base, BPW)], idx_v)
    pltpu.async_copy(temb_hbm.at[idx_v], rows_v, sem).wait()
    pltpu.sync_copy(rows_v, trows_hbm.at[pl.ds(base, BPW)])
    pltpu.sync_copy(lid_hbm.at[pl.ds(base, BPW)], idx_v)
    pltpu.async_copy(lemb_hbm.at[idx_v], rows_v, sem).wait()
    pltpu.sync_copy(rows_v, lrows_hbm.at[pl.ds(base, BPW)])


def kernel(values, kinds, mask, prim_type, layer_id, meta, B_mat, kind_emb,
           type_emb, layer_emb, W1s, b1s, W2s, b2s, fW1, fb1, fW2, fb2, mW, mb):
    f32 = jnp.float32
    v8 = values.reshape(N * S // 8, 8).astype(f32)
    kf = kinds.reshape(N * S, 1).astype(jnp.int32)
    kfl = kinds.reshape(NBA, 1, SA).astype(jnp.int32)
    maskl = mask.reshape(NBA, 1, SA).astype(f32)
    mask2 = mask.astype(f32)
    pt = prim_type.reshape(N).astype(jnp.int32)
    lid = layer_id.reshape(N).astype(jnp.int32)
    Bs = B_mat.reshape(1, BF).astype(f32)
    Bs2 = jnp.concatenate([Bs, Bs], axis=1)
    P2 = jnp.concatenate([jnp.zeros((1, BF), f32),
                          jnp.full((1, BF), 0.25, f32)], axis=1)
    E8 = jnp.repeat(jnp.eye(8, dtype=f32), F2, axis=1)
    Bs384 = jnp.tile(Bs2, (1, 8))
    P384 = jnp.tile(P2, (1, 8))

    full = lambda shape: pl.BlockSpec(shape, lambda i: tuple(0 for _ in shape))
    vf_flat = pl.pallas_call(
        _fourier_kernel,
        grid=(NF,),
        in_specs=[
            pl.BlockSpec((RF, 8), lambda i: (i, 0)),
            full((8, 8 * F2)),
            full((1, 8 * F2)),
            full((1, 8 * F2)),
        ],
        out_specs=pl.BlockSpec((RF, 8 * F2), lambda i: (i, 0)),
        out_shape=jax.ShapeDtypeStruct((N * S // 8, 8 * F2), jnp.bfloat16),
        compiler_params=pltpu.CompilerParams(
            dimension_semantics=("arbitrary",),
        ),
    )(v8, E8, Bs384, P384)
    vf = vf_flat.reshape(N * S, F2)
    h_num = pl.pallas_call(
        _expert_kernel,
        grid=(NBA,),
        in_specs=[
            pl.BlockSpec((SA, F2), lambda i: (i, 0)),
            pl.BlockSpec((SA, 1), lambda i: (i, 0)),
            pl.BlockSpec((1, 1, SA), lambda i: (i, 0, 0)),
            pl.BlockSpec((1, 1, SA), lambda i: (i, 0, 0)),
            pl.BlockSpec((RA, S), lambda i: (i, 0)),
            full((N_KINDS, DM)),
            full((N_KINDS * F2, DM)),
            full((N_KINDS, DM)),
            full((N_KINDS, DM, DM)),
            full((N_KINDS, DM)),
        ],
        out_specs=pl.BlockSpec((RA, DM), lambda i: (i, 0)),
        out_shape=jax.ShapeDtypeStruct((N, DM), f32),
        compiler_params=pltpu.CompilerParams(
            dimension_semantics=("arbitrary",),
        ),
    )(vf, kf, kfl, maskl, mask2, kind_emb,
      W1s.reshape(N_KINDS * F2, DM).astype(jnp.bfloat16),
      b1s, W2s.astype(jnp.bfloat16), b2s)
    t_rows, l_rows = _emb_gather(type_emb.astype(f32), layer_emb.astype(f32),
                                 pt, lid)
    out = pl.pallas_call(
        _fusion_kernel,
        grid=(NBB,),
        in_specs=[
            pl.BlockSpec((RBB, DM), lambda i: (i, 0)),
            pl.BlockSpec((RBB, DM), lambda i: (i, 0)),
            pl.BlockSpec((RBB, DM), lambda i: (i, 0)),
            pl.BlockSpec((RBB, 4), lambda i: (i, 0)),
            full((3 * DM, DM)),
            full((1, DM)),
            full((DM, DM)),
            full((1, DM)),
            full((4, DM)),
            full((1, DM)),
        ],
        out_specs=pl.BlockSpec((RBB, DM), lambda i: (i, 0)),
        out_shape=jax.ShapeDtypeStruct((N, DM), f32),
        compiler_params=pltpu.CompilerParams(
            dimension_semantics=("arbitrary",),
        ),
    )(h_num, t_rows, l_rows, meta.astype(f32),
      fW1, fb1.reshape(1, DM), fW2, fb2.reshape(1, DM), mW, mb.reshape(1, DM))
    return out

# --- scband reference (transcript-rebuilt; emitter-appended) ---
"""Pipeline reference for scband-primitive-tokenizer-66949950210383 (READ-ONLY COPY).

The authoritative reference and input builder live on the scoring server;
editing this copy changes nothing except your own understanding.
"""

import jax, jax.numpy as jnp
import numpy as np
import math

N = 4096
S = 16
N_KINDS = 8
N_TYPES = 64
N_LAYERS = 4096
D_MODEL = 256
BF = 24


def setup_inputs(seed: int = 0) -> dict:
    key = jax.random.key(seed)
    ks = jax.random.split(key, 20)
    values = jax.random.normal(ks[0], (N, S), dtype=jnp.float32)
    kinds = jax.random.randint(ks[1], (N, S), 0, N_KINDS, dtype=jnp.int64 if jax.config.jax_enable_x64 else jnp.int32)
    mask = jnp.ones((N, S), dtype=jnp.float32)
    prim_type = jax.random.randint(ks[2], (N,), 0, N_TYPES)
    layer_id = jax.random.randint(ks[3], (N,), 0, N_LAYERS)
    meta = jax.random.normal(ks[4], (N, 4), dtype=jnp.float32)
    # frozen Fourier projection matrix (requires_grad=False in torch)
    B_mat = jax.random.normal(ks[5], (1, BF), dtype=jnp.float32) * 8.0
    # learned params
    kind_emb = jax.random.normal(ks[6], (N_KINDS, D_MODEL), dtype=jnp.float32)
    type_emb = jax.random.normal(ks[7], (N_TYPES, D_MODEL), dtype=jnp.float32)
    layer_emb = jax.random.normal(ks[8], (N_LAYERS, D_MODEL), dtype=jnp.float32)
    W1s = jax.random.normal(ks[9], (N_KINDS, 2 * BF, D_MODEL), dtype=jnp.float32) * 0.05
    b1s = jnp.zeros((N_KINDS, D_MODEL), dtype=jnp.float32)
    W2s = jax.random.normal(ks[10], (N_KINDS, D_MODEL, D_MODEL), dtype=jnp.float32) * 0.05
    b2s = jnp.zeros((N_KINDS, D_MODEL), dtype=jnp.float32)
    fW1 = jax.random.normal(ks[11], (3 * D_MODEL, D_MODEL), dtype=jnp.float32) * 0.03
    fb1 = jnp.zeros((D_MODEL,), dtype=jnp.float32)
    fW2 = jax.random.normal(ks[12], (D_MODEL, D_MODEL), dtype=jnp.float32) * 0.05
    fb2 = jnp.zeros((D_MODEL,), dtype=jnp.float32)
    mW = jax.random.normal(ks[13], (4, D_MODEL), dtype=jnp.float32) * 0.3
    mb = jnp.zeros((D_MODEL,), dtype=jnp.float32)
    return {"values": values, "kinds": kinds, "mask": mask, "prim_type": prim_type,
            "layer_id": layer_id, "meta": meta, "B_mat": B_mat, "kind_emb": kind_emb,
            "type_emb": type_emb, "layer_emb": layer_emb, "W1s": W1s, "b1s": b1s,
            "W2s": W2s, "b2s": b2s, "fW1": fW1, "fb1": fb1, "fW2": fW2, "fb2": fb2,
            "mW": mW, "mb": mb}


def reference(values, kinds, mask, prim_type, layer_id, meta, B_mat, kind_emb,
              type_emb, layer_emb, W1s, b1s, W2s, b2s, fW1, fb1, fW2, fb2, mW, mb):
    n, s = values.shape
    # Fourier features on flattened scalar values
    v = values.reshape(-1, 1)
    y = 2.0 * math.pi * (v @ B_mat)
    vf = jnp.concatenate([jnp.sin(y), jnp.cos(y)], axis=-1)  # [n*s, 2*BF]
    kf = kinds.reshape(-1)
    # per-kind expert MLP dispatch (torch nonzero-gather loop -> masked select)
    out_flat = jnp.zeros((n * s, D_MODEL), dtype=values.dtype)
    for k in range(N_KINDS):
        h = vf @ W1s[k] + b1s[k]
        h = jax.nn.gelu(h, approximate=False)
        h = h @ W2s[k] + b2s[k]
        out_flat = jnp.where((kf == k)[:, None], h, out_flat)
    h_slots = out_flat.reshape(n, s, D_MODEL) + jnp.take(kind_emb, kinds, axis=0)
    h_slots = h_slots * mask[..., None]
    denom = jnp.clip(jnp.sum(mask, axis=1, keepdims=True), 1.0, None)  # [n,1]
    h_num = jnp.sum(h_slots, axis=1) / denom  # [n, D_MODEL]
    h = jnp.concatenate([h_num, jnp.take(type_emb, prim_type, axis=0),
                         jnp.take(layer_emb, layer_id, axis=0)], axis=-1)
    fh = jax.nn.gelu(h @ fW1 + fb1, approximate=False) @ fW2 + fb2
    return fh + meta.astype(jnp.float32) @ mW + mb

if __name__ == "__main__":
    import jax
    _d = setup_inputs()
    print(jax.jit(kernel)(*tuple(_d.values())))

</pallas_src>

<mosaic_0001>
#map = affine_map<(d0, d1) -> (0, 0)>
#map1 = affine_map<(d0, d1) -> (0)>
module attributes {stable_mosaic.version = 14 : i64} {
  func.func @_emb_gather(%arg0: i32, %arg1: i32, %arg2: memref<64x256xf32, #tpu.memory_space<hbm>>, %arg3: memref<4096x256xf32, #tpu.memory_space<hbm>>, %arg4: memref<4096xi32, #tpu.memory_space<hbm>>, %arg5: memref<4096xi32, #tpu.memory_space<hbm>>, %arg6: memref<4096x256xf32, #tpu.memory_space<hbm>>, %arg7: memref<4096x256xf32, #tpu.memory_space<hbm>>, %arg8: memref<128xi32, #tpu.memory_space<vmem>>, %arg9: memref<128x256xf32, #tpu.memory_space<vmem>>, %arg10: memref<!tpu.dma_semaphore, #tpu.memory_space<semaphore_mem>>) attributes {dimension_semantics = [#tpu.dimension_semantics<core_parallel>, #tpu.dimension_semantics<subcore_parallel>], iteration_bounds = array<i64: 2, 16>, scalar_prefetch = 0 : i64, scratch_operands = 3 : i64, tpu.core_type = #tpu.core_type<sc_vector_subcore>, window_params = [{transform_indices = #map}, {transform_indices = #map}, {transform_indices = #map1}, {transform_indices = #map1}, {transform_indices = #map}, {transform_indices = #map}]} {
    %mul3A = arith.constant 2 : i32
    %mul3A_0 = arith.muli %arg1, %mul3A : i32
    %add3A = arith.addi %mul3A_0, %arg0 : i32
    %mul3A_1 = arith.constant 128 : i32
    %mul3A_2 = arith.muli %add3A, %mul3A_1 : i32
    "tpu.region"() ({
      %run_scoped3A = tpu.sem_alloc : memref<!tpu.dma_semaphore, #tpu.memory_space<semaphore_mem>>
      %dma_start3A_13 = tpu.memref_slice %arg4[%mul3A_2] : memref<4096xi32, #tpu.memory_space<hbm>> -> memref<128xi32, #tpu.memory_space<hbm>>
      %dma_start3A_14 = tpu.memref_slice %arg4[%mul3A_2] : memref<4096xi32, #tpu.memory_space<hbm>> -> memref<128xi32, #tpu.memory_space<hbm>>
      tpu.enqueue_dma source(%dma_start3A_14 : memref<128xi32, #tpu.memory_space<hbm>>) target(%arg8 : memref<128xi32, #tpu.memory_space<vmem>>) target_semaphore(%run_scoped3A : memref<!tpu.dma_semaphore, #tpu.memory_space<semaphore_mem>>)
      %dma_wait3A_15 = tpu.memref_slice %arg4[%mul3A_2] : memref<4096xi32, #tpu.memory_space<hbm>> -> memref<128xi32, #tpu.memory_space<hbm>>
      %dma_wait3A_16 = tpu.memref_slice %arg4[%mul3A_2] : memref<4096xi32, #tpu.memory_space<hbm>> -> memref<128xi32, #tpu.memory_space<hbm>>
      tpu.wait_dma2 semaphore(%run_scoped3A : memref<!tpu.dma_semaphore, #tpu.memory_space<semaphore_mem>>) src(%dma_wait3A_16 : memref<128xi32, #tpu.memory_space<hbm>>) dst(%arg8 : memref<128xi32, #tpu.memory_space<vmem>>)
      tpu.yield
    }) : () -> ()
    %dma_start3A = arith.constant 0 : i32
    %dma_start3A_3 = arith.constant 0 : i32
    %dma_start3A_4 = tpu.memref_slice %arg2[%dma_start3A, %dma_start3A_3] : memref<64x256xf32, #tpu.memory_space<hbm>> -> memref<64x256xf32, #tpu.memory_space<hbm>>
    tpu.enqueue_indirect_dma source(%dma_start3A_4 : memref<64x256xf32, #tpu.memory_space<hbm>>) target(%arg9 : memref<128x256xf32, #tpu.memory_space<vmem>>) offsets(%arg8 : memref<128xi32, #tpu.memory_space<vmem>>) semaphore(%arg10 : memref<!tpu.dma_semaphore, #tpu.memory_space<semaphore_mem>>)
    %dma_wait3A = arith.constant 0 : i32
    %dma_wait3A_5 = arith.constant 0 : i32
    %dma_wait3A_6 = tpu.memref_slice %arg2[%dma_wait3A, %dma_wait3A_5] : memref<64x256xf32, #tpu.memory_space<hbm>> -> memref<64x256xf32, #tpu.memory_space<hbm>>
    tpu.wait_indirect_dma semaphore(%arg10 : memref<!tpu.dma_semaphore, #tpu.memory_space<semaphore_mem>>) src(%dma_wait3A_6 : memref<64x256xf32, #tpu.memory_space<hbm>>) dst(%arg9 : memref<128x256xf32, #tpu.memory_space<vmem>>)
    "tpu.region"() ({
      %run_scoped3A = tpu.sem_alloc : memref<!tpu.dma_semaphore, #tpu.memory_space<semaphore_mem>>
      %dma_start3A_13 = arith.constant 0 : i32
      %dma_start3A_14 = tpu.memref_slice %arg6[%mul3A_2, %dma_start3A_13] : memref<4096x256xf32, #tpu.memory_space<hbm>> -> memref<128x256xf32, #tpu.memory_space<hbm>>
      %dma_start3A_15 = arith.constant 0 : i32
      %dma_start3A_16 = tpu.memref_slice %arg6[%mul3A_2, %dma_start3A_15] : memref<4096x256xf32, #tpu.memory_space<hbm>> -> memref<128x256xf32, #tpu.memory_space<hbm>>
      tpu.enqueue_dma source(%arg9 : memref<128x256xf32, #tpu.memory_space<vmem>>) target(%dma_start3A_16 : memref<128x256xf32, #tpu.memory_space<hbm>>) target_semaphore(%run_scoped3A : memref<!tpu.dma_semaphore, #tpu.memory_space<semaphore_mem>>)
      %dma_wait3A_17 = arith.constant 0 : i32
      %dma_wait3A_18 = tpu.memref_slice %arg6[%mul3A_2, %dma_wait3A_17] : memref<4096x256xf32, #tpu.memory_space<hbm>> -> memref<128x256xf32, #tpu.memory_space<hbm>>
      %dma_wait3A_19 = arith.constant 0 : i32
      %dma_wait3A_20 = tpu.memref_slice %arg6[%mul3A_2, %dma_wait3A_19] : memref<4096x256xf32, #tpu.memory_space<hbm>> -> memref<128x256xf32, #tpu.memory_space<hbm>>
      tpu.wait_dma2 semaphore(%run_scoped3A : memref<!tpu.dma_semaphore, #tpu.memory_space<semaphore_mem>>) src(%arg9 : memref<128x256xf32, #tpu.memory_space<vmem>>) dst(%dma_wait3A_20 : memref<128x256xf32, #tpu.memory_space<hbm>>)
      tpu.yield
    }) : () -> ()
    "tpu.region"() ({
      %run_scoped3A = tpu.sem_alloc : memref<!tpu.dma_semaphore, #tpu.memory_space<semaphore_mem>>
      %dma_start3A_13 = tpu.memref_slice %arg5[%mul3A_2] : memref<4096xi32, #tpu.memory_space<hbm>> -> memref<128xi32, #tpu.memory_space<hbm>>
      %dma_start3A_14 = tpu.memref_slice %arg5[%mul3A_2] : memref<4096xi32, #tpu.memory_space<hbm>> -> memref<128xi32, #tpu.memory_space<hbm>>
      tpu.enqueue_dma source(%dma_start3A_14 : memref<128xi32, #tpu.memory_space<hbm>>) target(%arg8 : memref<128xi32, #tpu.memory_space<vmem>>) target_semaphore(%run_scoped3A : memref<!tpu.dma_semaphore, #tpu.memory_space<semaphore_mem>>)
      %dma_wait3A_15 = tpu.memref_slice %arg5[%mul3A_2] : memref<4096xi32, #tpu.memory_space<hbm>> -> memref<128xi32, #tpu.memory_space<hbm>>
      %dma_wait3A_16 = tpu.memref_slice %arg5[%mul3A_2] : memref<4096xi32, #tpu.memory_space<hbm>> -> memref<128xi32, #tpu.memory_space<hbm>>
      tpu.wait_dma2 semaphore(%run_scoped3A : memref<!tpu.dma_semaphore, #tpu.memory_space<semaphore_mem>>) src(%dma_wait3A_16 : memref<128xi32, #tpu.memory_space<hbm>>) dst(%arg8 : memref<128xi32, #tpu.memory_space<vmem>>)
      tpu.yield
    }) : () -> ()
    %dma_start3A_7 = arith.constant 0 : i32
    %dma_start3A_8 = arith.constant 0 : i32
    %dma_start3A_9 = tpu.memref_slice %arg3[%dma_start3A_7, %dma_start3A_8] : memref<4096x256xf32, #tpu.memory_space<hbm>> -> memref<4096x256xf32, #tpu.memory_space<hbm>>
    tpu.enqueue_indirect_dma source(%dma_start3A_9 : memref<4096x256xf32, #tpu.memory_space<hbm>>) target(%arg9 : memref<128x256xf32, #tpu.memory_space<vmem>>) offsets(%arg8 : memref<128xi32, #tpu.memory_space<vmem>>) semaphore(%arg10 : memref<!tpu.dma_semaphore, #tpu.memory_space<semaphore_mem>>)
    %dma_wait3A_10 = arith.constant 0 : i32
    %dma_wait3A_11 = arith.constant 0 : i32
    %dma_wait3A_12 = tpu.memref_slice %arg3[%dma_wait3A_10, %dma_wait3A_11] : memref<4096x256xf32, #tpu.memory_space<hbm>> -> memref<4096x256xf32, #tpu.memory_space<hbm>>
    tpu.wait_indirect_dma semaphore(%arg10 : memref<!tpu.dma_semaphore, #tpu.memory_space<semaphore_mem>>) src(%dma_wait3A_12 : memref<4096x256xf32, #tpu.memory_space<hbm>>) dst(%arg9 : memref<128x256xf32, #tpu.memory_space<vmem>>)
    "tpu.region"() ({
      %run_scoped3A = tpu.sem_alloc : memref<!tpu.dma_semaphore, #tpu.memory_space<semaphore_mem>>
      %dma_start3A_13 = arith.constant 0 : i32
      %dma_start3A_14 = tpu.memref_slice %arg7[%mul3A_2, %dma_start3A_13] : memref<4096x256xf32, #tpu.memory_space<hbm>> -> memref<128x256xf32, #tpu.memory_space<hbm>>
      %dma_start3A_15 = arith.constant 0 : i32
      %dma_start3A_16 = tpu.memref_slice %arg7[%mul3A_2, %dma_start3A_15] : memref<4096x256xf32, #tpu.memory_space<hbm>> -> memref<128x256xf32, #tpu.memory_space<hbm>>
      tpu.enqueue_dma source(%arg9 : memref<128x256xf32, #tpu.memory_space<vmem>>) target(%dma_start3A_16 : memref<128x256xf32, #tpu.memory_space<hbm>>) target_semaphore(%run_scoped3A : memref<!tpu.dma_semaphore, #tpu.memory_space<semaphore_mem>>)
      %dma_wait3A_17 = arith.constant 0 : i32
      %dma_wait3A_18 = tpu.memref_slice %arg7[%mul3A_2, %dma_wait3A_17] : memref<4096x256xf32, #tpu.memory_space<hbm>> -> memref<128x256xf32, #tpu.memory_space<hbm>>
      %dma_wait3A_19 = arith.constant 0 : i32
      %dma_wait3A_20 = tpu.memref_slice %arg7[%mul3A_2, %dma_wait3A_19] : memref<4096x256xf32, #tpu.memory_space<hbm>> -> memref<128x256xf32, #tpu.memory_space<hbm>>
      tpu.wait_dma2 semaphore(%run_scoped3A : memref<!tpu.dma_semaphore, #tpu.memory_space<semaphore_mem>>) src(%arg9 : memref<128x256xf32, #tpu.memory_space<vmem>>) dst(%dma_wait3A_20 : memref<128x256xf32, #tpu.memory_space<hbm>>)
      tpu.yield
    }) : () -> ()
    return
  }
}

module attributes {stable_mosaic.version = 14 : i64} {
  func.func @_fourier_kernel(%arg0: i32, %arg1: memref<2048x8xf32, #tpu.memory_space<vmem>>, %arg2: memref<8x384xf32, #tpu.memory_space<vmem>>, %arg3: memref<1x384xf32, #tpu.memory_space<vmem>>, %arg4: memref<1x384xf32, #tpu.memory_space<vmem>>, %arg5: memref<2048x384xbf16, #tpu.memory_space<vmem>>) attributes {dimension_semantics = [#tpu.dimension_semantics<arbitrary>], iteration_bounds = array<i64: 4>, scalar_prefetch = 0 : i64, scratch_operands = 0 : i64, tpu.core_type = #tpu.core_type<tc>, window_params = [{transform_indices = @transform_0, window_bounds = array<i64: 2048, 8>}, {pipeline_mode = #tpu.pipeline_mode<synchronous>, transform_indices = @transform_1, window_bounds = array<i64: 8, 384>}, {pipeline_mode = #tpu.pipeline_mode<synchronous>, transform_indices = @transform_2, window_bounds = array<i64: 1, 384>}, {pipeline_mode = #tpu.pipeline_mode<synchronous>, transform_indices = @transform_3, window_bounds = array<i64: 1, 384>}, {transform_indices = @transform_4, window_bounds = array<i64: 2048, 384>}]} {
    %get3A = arith.constant 0 : index
    %get3A_0 = arith.constant 0 : index
    %get3A_1 = vector.load %arg1[%get3A, %get3A_0] : memref<2048x8xf32, #tpu.memory_space<vmem>>, vector<2048x8xf32>
    %get3A_2 = arith.constant 0 : index
    %get3A_3 = arith.constant 0 : index
    %get3A_4 = vector.load %arg2[%get3A_2, %get3A_3] : memref<8x384xf32, #tpu.memory_space<vmem>>, vector<8x384xf32>
    %dot_general3A = arith.constant dense<0.000000e+00> : vector<2048x384xf32>
    %dot_general3A_5 = tpu.matmul %get3A_1, %get3A_4, %dot_general3A {dimension_numbers = #tpu.dot_dimension_numbers<[1], [0], [0], [1], [0, 0, 1, 1], [], []>, transpose_lhs_hint = false} : vector<2048x8xf32>, vector<8x384xf32>, vector<2048x384xf32> -> vector<2048x384xf32>
    %get3A_6 = arith.constant 0 : index
    %get3A_7 = arith.constant 0 : index
    %get3A_8 = vector.load %arg3[%get3A_6, %get3A_7] : memref<1x384xf32, #tpu.memory_space<vmem>>, vector<1x384xf32>
    %mul3A = vector.broadcast %get3A_8 : vector<1x384xf32> to vector<2048x384xf32>
    %mul3A_9 = arith.mulf %dot_general3A_5, %mul3A : vector<2048x384xf32>
    %get3A_10 = arith.constant 0 : index
    %get3A_11 = arith.constant 0 : index
    %get3A_12 = vector.load %arg4[%get3A_10, %get3A_11] : memref<1x384xf32, #tpu.memory_space<vmem>>, vector<1x384xf32>
    %add3A = vector.broadcast %get3A_12 : vector<1x384xf32> to vector<2048x384xf32>
    %add3A_13 = arith.addf %mul3A_9, %add3A : vector<2048x384xf32>
    %round3A = math.roundeven %add3A_13 : vector<2048x384xf32>
    %sub3A = arith.subf %add3A_13, %round3A : vector<2048x384xf32>
    %mul3A_14 = arith.constant 2.000000e+00 : f32
    %mul3A_15 = vector.broadcast %mul3A_14 : f32 to vector<2048x384xf32>
    %mul3A_16 = arith.mulf %mul3A_15, %sub3A : vector<2048x384xf32>
    %mul3A_17 = arith.mulf %mul3A_16, %mul3A_16 : vector<2048x384xf32>
    %mul3A_18 = arith.constant 0.0647822097 : f32
    %mul3A_19 = vector.broadcast %mul3A_18 : f32 to vector<2048x384xf32>
    %mul3A_20 = arith.mulf %mul3A_17, %mul3A_19 : vector<2048x384xf32>
    %add3A_21 = arith.constant -0.583406806 : f32
    %add3A_22 = vector.broadcast %add3A_21 : f32 to vector<2048x384xf32>
    %add3A_23 = arith.addf %add3A_22, %mul3A_20 : vector<2048x384xf32>
    %mul3A_24 = arith.mulf %mul3A_17, %add3A_23 : vector<2048x384xf32>
    %add3A_25 = arith.constant 2.54375362 : f32
    %add3A_26 = vector.broadcast %add3A_25 : f32 to vector<2048x384xf32>
    %add3A_27 = arith.addf %add3A_26, %mul3A_24 : vector<2048x384xf32>
    %mul3A_28 = arith.mulf %mul3A_17, %add3A_27 : vector<2048x384xf32>
    %add3A_29 = arith.constant -5.16665602 : f32
    %add3A_30 = vector.broadcast %add3A_29 : f32 to vector<2048x384xf32>
    %add3A_31 = arith.addf %add3A_30, %mul3A_28 : vector<2048x384xf32>
    %mul3A_32 = arith.mulf %mul3A_17, %add3A_31 : vector<2048x384xf32>
    %add3A_33 = arith.constant 3.14154434 : f32
    %add3A_34 = vector.broadcast %add3A_33 : f32 to vector<2048x384xf32>
    %add3A_35 = arith.addf %add3A_34, %mul3A_32 : vector<2048x384xf32>
    %mul3A_36 = arith.mulf %mul3A_16, %add3A_35 : vector<2048x384xf32>
    %convert_element_type3A = arith.truncf %mul3A_36 : vector<2048x384xf32> to vector<2048x384xbf16>
    %swap3A = arith.constant 0 : index
    %swap3A_37 = arith.constant 0 : index
    %swap3A_38 = vector.load %arg5[%swap3A, %swap3A_37] : memref<2048x384xbf16, #tpu.memory_space<vmem>>, vector<2048x384xbf16>
    tpu.vector_store %arg5[%swap3A, %swap3A_37], %convert_element_type3A {strides = array<i32>} : memref<2048x384xbf16, #tpu.memory_space<vmem>>, vector<2048x384xbf16>,
    return
  }
  func.func @transform_0(%arg0: i32) -> (i32, i32) {
    %c0_i32 = arith.constant 0 : i32
    %c0_i32_0 = arith.constant 0 : i32
    return %arg0, %c0_i32 : i32, i32
  }
  func.func @transform_1(%arg0: i32) -> (i32, i32) {
    %c0_i32 = arith.constant 0 : i32
    %c0_i32_0 = arith.constant 0 : i32
    %c0_i32_1 = arith.constant 0 : i32
    return %c0_i32, %c0_i32_0 : i32, i32
  }
  func.func @transform_2(%arg0: i32) -> (i32, i32) {
    %c0_i32 = arith.constant 0 : i32
    %c0_i32_0 = arith.constant 0 : i32
    %c0_i32_1 = arith.constant 0 : i32
    return %c0_i32, %c0_i32_0 : i32, i32
  }
  func.func @transform_3(%arg0: i32) -> (i32, i32) {
    %c0_i32 = arith.constant 0 : i32
    %c0_i32_0 = arith.constant 0 : i32
    %c0_i32_1 = arith.constant 0 : i32
    return %c0_i32, %c0_i32_0 : i32, i32
  }
  func.func @transform_4(%arg0: i32) -> (i32, i32) {
    %c0_i32 = arith.constant 0 : i32
    %c0_i32_0 = arith.constant 0 : i32
    return %arg0, %c0_i32 : i32, i32
  }
}

module attributes {stable_mosaic.version = 14 : i64} {
  func.func @_fusion_kernel(%arg0: i32, %arg1: memref<256x256xf32, #tpu.memory_space<vmem>>, %arg2: memref<256x256xf32, #tpu.memory_space<vmem>>, %arg3: memref<256x256xf32, #tpu.memory_space<vmem>>, %arg4: memref<256x4xf32, #tpu.memory_space<vmem>>, %arg5: memref<768x256xf32, #tpu.memory_space<vmem>>, %arg6: memref<1x256xf32, #tpu.memory_space<vmem>>, %arg7: memref<256x256xf32, #tpu.memory_space<vmem>>, %arg8: memref<1x256xf32, #tpu.memory_space<vmem>>, %arg9: memref<4x256xf32, #tpu.memory_space<vmem>>, %arg10: memref<1x256xf32, #tpu.memory_space<vmem>>, %arg11: memref<256x256xf32, #tpu.memory_space<vmem>>) attributes {dimension_semantics = [#tpu.dimension_semantics<arbitrary>], iteration_bounds = array<i64: 16>, scalar_prefetch = 0 : i64, scratch_operands = 0 : i64, tpu.core_type = #tpu.core_type<tc>, window_params = [{transform_indices = @transform_0, window_bounds = array<i64: 256, 256>}, {transform_indices = @transform_1, window_bounds = array<i64: 256, 256>}, {transform_indices = @transform_2, window_bounds = array<i64: 256, 256>}, {transform_indices = @transform_3, window_bounds = array<i64: 256, 4>}, {pipeline_mode = #tpu.pipeline_mode<synchronous>, transform_indices = @transform_4, window_bounds = array<i64: 768, 256>}, {pipeline_mode = #tpu.pipeline_mode<synchronous>, transform_indices = @transform_5, window_bounds = array<i64: 1, 256>}, {pipeline_mode = #tpu.pipeline_mode<synchronous>, transform_indices = @transform_6, window_bounds = array<i64: 256, 256>}, {pipeline_mode = #tpu.pipeline_mode<synchronous>, transform_indices = @transform_7, window_bounds = array<i64: 1, 256>}, {pipeline_mode = #tpu.pipeline_mode<synchronous>, transform_indices = @transform_8, window_bounds = array<i64: 4, 256>}, {pipeline_mode = #tpu.pipeline_mode<synchronous>, transform_indices = @transform_9, window_bounds = array<i64: 1, 256>}, {transform_indices = @transform_10, window_bounds = array<i64: 256, 256>}]} {
    %get3A = arith.constant 0 : index
    %get3A_0 = arith.constant 0 : index
    %get3A_1 = vector.load %arg5[%get3A, %get3A_0] : memref<768x256xf32, #tpu.memory_space<vmem>>, vector<768x256xf32>
    %convert_element_type3A = arith.truncf %get3A_1 : vector<768x256xf32> to vector<768x256xbf16>
    %get3A_2 = arith.constant 0 : index
    %get3A_3 = arith.constant 0 : index
    %get3A_4 = vector.load %arg1[%get3A_2, %get3A_3] : memref<256x256xf32, #tpu.memory_space<vmem>>, vector<256x256xf32>
    %convert_element_type3A_5 = arith.truncf %get3A_4 : vector<256x256xf32> to vector<256x256xbf16>
    %slice3A = vector.extract_strided_slice %convert_element_type3A {offsets = [0, 0], sizes = [256, 256], strides = [1, 1]} : vector<768x256xbf16> to vector<256x256xbf16>
    %dot_general3A = arith.constant dense<0.000000e+00> : vector<256x256xf32>
    %dot_general3A_6 = tpu.matmul %convert_element_type3A_5, %slice3A, %dot_general3A {dimension_numbers = #tpu.dot_dimension_numbers<[1], [0], [0], [1], [0, 0, 1, 1], [], []>, transpose_lhs_hint = false} : vector<256x256xbf16>, vector<256x256xbf16>, vector<256x256xf32> -> vector<256x256xf32>
    %get3A_7 = arith.constant 0 : index
    %get3A_8 = arith.constant 0 : index
    %get3A_9 = vector.load %arg2[%get3A_7, %get3A_8] : memref<256x256xf32, #tpu.memory_space<vmem>>, vector<256x256xf32>
    %convert_element_type3A_10 = arith.truncf %get3A_9 : vector<256x256xf32> to vector<256x256xbf16>
    %slice3A_11 = vector.extract_strided_slice %convert_element_type3A {offsets = [256, 0], sizes = [256, 256], strides = [1, 1]} : vector<768x256xbf16> to vector<256x256xbf16>
    %dot_general3A_12 = arith.constant dense<0.000000e+00> : vector<256x256xf32>
    %dot_general3A_13 = tpu.matmul %convert_element_type3A_10, %slice3A_11, %dot_general3A_12 {dimension_numbers = #tpu.dot_dimension_numbers<[1], [0], [0], [1], [0, 0, 1, 1], [], []>, transpose_lhs_hint = false} : vector<256x256xbf16>, vector<256x256xbf16>, vector<256x256xf32> -> vector<256x256xf32>
    %add3A = arith.addf %dot_general3A_6, %dot_general3A_13 : vector<256x256xf32>
    %get3A_14 = arith.constant 0 : index
    %get3A_15 = arith.constant 0 : index
    %get3A_16 = vector.load %arg3[%get3A_14, %get3A_15] : memref<256x256xf32, #tpu.memory_space<vmem>>, vector<256x256xf32>
    %convert_element_type3A_17 = arith.truncf %get3A_16 : vector<256x256xf32> to vector<256x256xbf16>
    %slice3A_18 = vector.extract_strided_slice %convert_element_type3A {offsets = [512, 0], sizes = [256, 256], strides = [1, 1]} : vector<768x256xbf16> to vector<256x256xbf16>
    %dot_general3A_19 = arith.constant dense<0.000000e+00> : vector<256x256xf32>
    %dot_general3A_20 = tpu.matmul %convert_element_type3A_17, %slice3A_18, %dot_general3A_19 {dimension_numbers = #tpu.dot_dimension_numbers<[1], [0], [0], [1], [0, 0, 1, 1], [], []>, transpose_lhs_hint = false} : vector<256x256xbf16>, vector<256x256xbf16>, vector<256x256xf32> -> vector<256x256xf32>
    %add3A_21 = arith.addf %add3A, %dot_general3A_20 : vector<256x256xf32>
    %get3A_22 = arith.constant 0 : index
    %get3A_23 = arith.constant 0 : index
    %get3A_24 = vector.load %arg6[%get3A_22, %get3A_23] : memref<1x256xf32, #tpu.memory_space<vmem>>, vector<1x256xf32>
    %add3A_25 = vector.broadcast %get3A_24 : vector<1x256xf32> to vector<256x256xf32>
    %add3A_26 = arith.addf %add3A_21, %add3A_25 : vector<256x256xf32>
    %mul3A = arith.constant 5.000000e-01 : f32
    %mul3A_27 = vector.broadcast %mul3A : f32 to vector<256x256xf32>
    %mul3A_28 = arith.mulf %mul3A_27, %add3A_26 : vector<256x256xf32>
    %mul3A_29 = arith.constant 0.707106769 : f32
    %mul3A_30 = vector.broadcast %mul3A_29 : f32 to vector<256x256xf32>
    %mul3A_31 = arith.mulf %add3A_26, %mul3A_30 : vector<256x256xf32>
    %erf3A = math.erf %mul3A_31 : vector<256x256xf32>
    %add3A_32 = arith.constant 1.000000e+00 : f32
    %add3A_33 = vector.broadcast %add3A_32 : f32 to vector<256x256xf32>
    %add3A_34 = arith.addf %add3A_33, %erf3A : vector<256x256xf32>
    %mul3A_35 = arith.mulf %mul3A_28, %add3A_34 : vector<256x256xf32>
    %convert_element_type3A_36 = arith.truncf %mul3A_35 : vector<256x256xf32> to vector<256x256xbf16>
    %get3A_37 = arith.constant 0 : index
    %get3A_38 = arith.constant 0 : index
    %get3A_39 = vector.load %arg7[%get3A_37, %get3A_38] : memref<256x256xf32, #tpu.memory_space<vmem>>, vector<256x256xf32>
    %convert_element_type3A_40 = arith.truncf %get3A_39 : vector<256x256xf32> to vector<256x256xbf16>
    %dot_general3A_41 = arith.constant dense<0.000000e+00> : vector<256x256xf32>
    %dot_general3A_42 = tpu.matmul %convert_element_type3A_36, %convert_element_type3A_40, %dot_general3A_41 {dimension_numbers = #tpu.dot_dimension_numbers<[1], [0], [0], [1], [0, 0, 1, 1], [], []>, transpose_lhs_hint = false} : vector<256x256xbf16>, vector<256x256xbf16>, vector<256x256xf32> -> vector<256x256xf32>
    %get3A_43 = arith.constant 0 : index
    %get3A_44 = arith.constant 0 : index
    %get3A_45 = vector.load %arg8[%get3A_43, %get3A_44] : memref<1x256xf32, #tpu.memory_space<vmem>>, vector<1x256xf32>
    %add3A_46 = vector.broadcast %get3A_45 : vector<1x256xf32> to vector<256x256xf32>
    %add3A_47 = arith.addf %dot_general3A_42, %add3A_46 : vector<256x256xf32>
    %get3A_48 = arith.constant 0 : index
    %get3A_49 = arith.constant 0 : index
    %get3A_50 = vector.load %arg4[%get3A_48, %get3A_49] : memref<256x4xf32, #tpu.memory_space<vmem>>, vector<256x4xf32>
    %get3A_51 = arith.constant 0 : index
    %get3A_52 = arith.constant 0 : index
    %get3A_53 = vector.load %arg9[%get3A_51, %get3A_52] : memref<4x256xf32, #tpu.memory_space<vmem>>, vector<4x256xf32>
    %dot_general3A_54 = arith.constant dense<0.000000e+00> : vector<256x256xf32>
    %dot_general3A_55 = tpu.matmul %get3A_50, %get3A_53, %dot_general3A_54 {dimension_numbers = #tpu.dot_dimension_numbers<[1], [0], [0], [1], [0, 0, 1, 1], [], []>, transpose_lhs_hint = false} : vector<256x4xf32>, vector<4x256xf32>, vector<256x256xf32> -> vector<256x256xf32>
    %add3A_56 = arith.addf %add3A_47, %dot_general3A_55 : vector<256x256xf32>
    %get3A_57 = arith.constant 0 : index
    %get3A_58 = arith.constant 0 : index
    %get3A_59 = vector.load %arg10[%get3A_57, %get3A_58] : memref<1x256xf32, #tpu.memory_space<vmem>>, vector<1x256xf32>
    %add3A_60 = vector.broadcast %get3A_59 : vector<1x256xf32> to vector<256x256xf32>
    %add3A_61 = arith.addf %add3A_56, %add3A_60 : vector<256x256xf32>
    %swap3A = arith.constant 0 : index
    %swap3A_62 = arith.constant 0 : index
    %swap3A_63 = vector.load %arg11[%swap3A, %swap3A_62] : memref<256x256xf32, #tpu.memory_space<vmem>>, vector<256x256xf32>
    tpu.vector_store %arg11[%swap3A, %swap3A_62], %add3A_61 {strides = array<i32>} : memref<256x256xf32, #tpu.memory_space<vmem>>, vector<256x256xf32>,
    return
  }
  func.func @transform_0(%arg0: i32) -> (i32, i32) {
    %c0_i32 = arith.constant 0 : i32
    %c0_i32_0 = arith.constant 0 : i32
    return %arg0, %c0_i32 : i32, i32
  }
  func.func @transform_1(%arg0: i32) -> (i32, i32) {
    %c0_i32 = arith.constant 0 : i32
    %c0_i32_0 = arith.constant 0 : i32
    return %arg0, %c0_i32 : i32, i32
  }
  func.func @transform_2(%arg0: i32) -> (i32, i32) {
    %c0_i32 = arith.constant 0 : i32
    %c0_i32_0 = arith.constant 0 : i32
    return %arg0, %c0_i32 : i32, i32
  }
  func.func @transform_3(%arg0: i32) -> (i32, i32) {
    %c0_i32 = arith.constant 0 : i32
    %c0_i32_0 = arith.constant 0 : i32
    return %arg0, %c0_i32 : i32, i32
  }
  func.func @transform_4(%arg0: i32) -> (i32, i32) {
    %c0_i32 = arith.constant 0 : i32
    %c0_i32_0 = arith.constant 0 : i32
    %c0_i32_1 = arith.constant 0 : i32
    return %c0_i32, %c0_i32_0 : i32, i32
  }
  func.func @transform_5(%arg0: i32) -> (i32, i32) {
    %c0_i32 = arith.constant 0 : i32
    %c0_i32_0 = arith.constant 0 : i32
    %c0_i32_1 = arith.constant 0 : i32
    return %c0_i32, %c0_i32_0 : i32, i32
  }
  func.func @transform_6(%arg0: i32) -> (i32, i32) {
    %c0_i32 = arith.constant 0 : i32
    %c0_i32_0 = arith.constant 0 : i32
    %c0_i32_1 = arith.constant 0 : i32
    return %c0_i32, %c0_i32_0 : i32, i32
  }
  func.func @transform_7(%arg0: i32) -> (i32, i32) {
    %c0_i32 = arith.constant 0 : i32
    %c0_i32_0 = arith.constant 0 : i32
    %c0_i32_1 = arith.constant 0 : i32
    return %c0_i32, %c0_i32_0 : i32, i32
  }
  func.func @transform_8(%arg0: i32) -> (i32, i32) {
    %c0_i32 = arith.constant 0 : i32
    %c0_i32_0 = arith.constant 0 : i32
    %c0_i32_1 = arith.constant 0 : i32
    return %c0_i32, %c0_i32_0 : i32, i32
  }
  func.func @transform_9(%arg0: i32) -> (i32, i32) {
    %c0_i32 = arith.constant 0 : i32
    %c0_i32_0 = arith.constant 0 : i32
    %c0_i32_1 = arith.constant 0 : i32
    return %c0_i32, %c0_i32_0 : i32, i32
  }
  func.func @transform_10(%arg0: i32) -> (i32, i32) {
    %c0_i32 = arith.constant 0 : i32
    %c0_i32_0 = arith.constant 0 : i32
    return %arg0, %c0_i32 : i32, i32
  }
}

module attributes {stable_mosaic.version = 14 : i64} {
  func.func @_expert_kernel(%arg0: i32, %arg1: memref<4096x48xbf16, #tpu.memory_space<vmem>>, %arg2: memref<4096x1xi32, #tpu.memory_space<vmem>>, %arg3: memref<1x1x4096xi32, #tpu.memory_space<vmem>>, %arg4: memref<1x1x4096xf32, #tpu.memory_space<vmem>>, %arg5: memref<256x16xf32, #tpu.memory_space<vmem>>, %arg6: memref<8x256xf32, #tpu.memory_space<vmem>>, %arg7: memref<384x256xbf16, #tpu.memory_space<vmem>>, %arg8: memref<8x256xf32, #tpu.memory_space<vmem>>, %arg9: memref<8x256x256xbf16, #tpu.memory_space<vmem>>, %arg10: memref<8x256xf32, #tpu.memory_space<vmem>>, %arg11: memref<256x256xf32, #tpu.memory_space<vmem>>) attributes {dimension_semantics = [#tpu.dimension_semantics<arbitrary>], iteration_bounds = array<i64: 16>, scalar_prefetch = 0 : i64, scratch_operands = 0 : i64, tpu.core_type = #tpu.core_type<tc>, window_params = [{transform_indices = @transform_0, window_bounds = array<i64: 4096, 48>}, {transform_indices = @transform_1, window_bounds = array<i64: 4096, 1>}, {transform_indices = @transform_2, window_bounds = array<i64: 1, 1, 4096>}, {transform_indices = @transform_3, window_bounds = array<i64: 1, 1, 4096>}, {transform_indices = @transform_4, window_bounds = array<i64: 256, 16>}, {pipeline_mode = #tpu.pipeline_mode<synchronous>, transform_indices = @transform_5, window_bounds = array<i64: 8, 256>}, {pipeline_mode = #tpu.pipeline_mode<synchronous>, transform_indices = @transform_6, window_bounds = array<i64: 384, 256>}, {pipeline_mode = #tpu.pipeline_mode<synchronous>, transform_indices = @transform_7, window_bounds = array<i64: 8, 256>}, {pipeline_mode = #tpu.pipeline_mode<synchronous>, transform_indices = @transform_8, window_bounds = array<i64: 8, 256, 256>}, {pipeline_mode = #tpu.pipeline_mode<synchronous>, transform_indices = @transform_9, window_bounds = array<i64: 8, 256>}, {transform_indices = @transform_10, window_bounds = array<i64: 256, 256>}]} {
    %get3A = arith.constant 0 : index
    %get3A_0 = arith.constant 0 : index
    %get3A_1 = vector.load %arg1[%get3A, %get3A_0] : memref<4096x48xbf16, #tpu.memory_space<vmem>>, vector<4096x48xbf16>
    %get3A_2 = arith.constant 0 : index
    %get3A_3 = arith.constant 0 : index
    %get3A_4 = vector.load %arg2[%get3A_2, %get3A_3] : memref<4096x1xi32, #tpu.memory_space<vmem>>, vector<4096x1xi32>
    %iota3A = tpu.iota {dimensions = array<i32: 1>} : vector<4096x8xi32>
    %eq3A = vector.broadcast %get3A_4 : vector<4096x1xi32> to vector<4096x8xi32>
    %eq3A_5 = arith.cmpi eq, %eq3A, %iota3A : vector<4096x8xi32>
    %convert_element_type3A = arith.extui %eq3A_5 : vector<4096x8xi1> to vector<4096x8xi32>
    %convert_element_type3A_6 = arith.sitofp %convert_element_type3A : vector<4096x8xi32> to vector<4096x8xf32>
    %iota3A_7 = tpu.iota {dimensions = array<i32: 1>} : vector<4096x384xi32>
    %jit3A = arith.constant 48 : i32
    %div3A = vector.broadcast %jit3A : i32 to vector<4096x384xi32>
    %div3A_8 = arith.divsi %iota3A_7, %div3A : vector<4096x384xi32>
    %sign3A = arith.constant 0 : i32
    %sign3A_9 = vector.broadcast %sign3A : i32 to vector<4096x384xi32>
    %sign3A_10 = arith.cmpi sgt, %iota3A_7, %sign3A_9 : vector<4096x384xi32>
    %sign3A_11 = arith.extui %sign3A_10 : vector<4096x384xi1> to vector<4096x384xi32>
    %sign3A_12 = arith.constant 0 : i32
    %sign3A_13 = vector.broadcast %sign3A_12 : i32 to vector<4096x384xi32>
    %sign3A_14 = arith.cmpi slt, %iota3A_7, %sign3A_13 : vector<4096x384xi32>
    %sign3A_15 = arith.extui %sign3A_14 : vector<4096x384xi1> to vector<4096x384xi32>
    %sign3A_16 = arith.subi %sign3A_11, %sign3A_15 : vector<4096x384xi32>
    %sign3A_17 = arith.constant 0 : i32
    %sign3A_18 = arith.cmpi sgt, %jit3A, %sign3A_17 : i32
    %sign3A_19 = arith.extui %sign3A_18 : i1 to i32
    %sign3A_20 = arith.constant 0 : i32
    %sign3A_21 = arith.cmpi slt, %jit3A, %sign3A_20 : i32
    %sign3A_22 = arith.extui %sign3A_21 : i1 to i32
    %sign3A_23 = arith.subi %sign3A_19, %sign3A_22 : i32
    %ne3A = vector.broadcast %sign3A_23 : i32 to vector<4096x384xi32>
    %ne3A_24 = arith.cmpi ne, %sign3A_16, %ne3A : vector<4096x384xi32>
    %rem3A = vector.broadcast %jit3A : i32 to vector<4096x384xi32>
    %rem3A_25 = arith.remsi %iota3A_7, %rem3A : vector<4096x384xi32>
    %ne3A_26 = arith.constant 0 : i32
    %ne3A_27 = vector.broadcast %ne3A_26 : i32 to vector<4096x384xi32>
    %ne3A_28 = arith.cmpi ne, %rem3A_25, %ne3A_27 : vector<4096x384xi32>
    %and3A = arith.andi %ne3A_24, %ne3A_28 : vector<4096x384xi1>
    %sub3A = arith.constant 1 : i32
    %sub3A_29 = vector.broadcast %sub3A : i32 to vector<4096x384xi32>
    %sub3A_30 = arith.subi %div3A_8, %sub3A_29 : vector<4096x384xi32>
    %select_n3A = arith.select %and3A, %sub3A_30, %div3A_8 : vector<4096x384xi1>, vector<4096x384xi32>
    %eq3A_31 = vector.broadcast %get3A_4 : vector<4096x1xi32> to vector<4096x384xi32>
    %eq3A_32 = arith.cmpi eq, %select_n3A, %eq3A_31 : vector<4096x384xi32>
    %concatenate3A = tpu.concatenate %get3A_1, %get3A_1, %get3A_1, %get3A_1, %get3A_1, %get3A_1, %get3A_1, %get3A_1 in 1 : vector<4096x48xbf16>, vector<4096x48xbf16>, vector<4096x48xbf16>, vector<4096x48xbf16>, vector<4096x48xbf16>, vector<4096x48xbf16>, vector<4096x48xbf16>, vector<4096x48xbf16> -> vector<4096x384xbf16>
    %jit3A_33 = arith.constant 0.000000e+00 : bf16
    %broadcast_in_dim3A = vector.broadcast %jit3A_33 : bf16 to vector<4096x384xbf16>
    %select_n3A_34 = arith.select %eq3A_32, %concatenate3A, %broadcast_in_dim3A : vector<4096x384xi1>, vector<4096x384xbf16>
    %get3A_35 = arith.constant 0 : index
    %get3A_36 = arith.constant 0 : index
    %get3A_37 = vector.load %arg7[%get3A_35, %get3A_36] : memref<384x256xbf16, #tpu.memory_space<vmem>>, vector<384x256xbf16>
    %dot_general3A = arith.constant dense<0.000000e+00> : vector<4096x256xf32>
    %dot_general3A_38 = tpu.matmul %select_n3A_34, %get3A_37, %dot_general3A {dimension_numbers = #tpu.dot_dimension_numbers<[1], [0], [0], [1], [0, 0, 1, 1], [], []>, transpose_lhs_hint = false} : vector<4096x384xbf16>, vector<384x256xbf16>, vector<4096x256xf32> -> vector<4096x256xf32>
    %get3A_39 = arith.constant 0 : index
    %get3A_40 = arith.constant 0 : index
    %get3A_41 = vector.load %arg8[%get3A_39, %get3A_40] : memref<8x256xf32, #tpu.memory_space<vmem>>, vector<8x256xf32>
    %dot_general3A_42 = arith.constant dense<0.000000e+00> : vector<4096x256xf32>
    %dot_general3A_43 = tpu.matmul %convert_element_type3A_6, %get3A_41, %dot_general3A_42 {dimension_numbers = #tpu.dot_dimension_numbers<[1], [0], [0], [1], [0, 0, 1, 1], [], []>, transpose_lhs_hint = false} : vector<4096x8xf32>, vector<8x256xf32>, vector<4096x256xf32> -> vector<4096x256xf32>
    %add3A = arith.addf %dot_general3A_38, %dot_general3A_43 : vector<4096x256xf32>
    %mul3A = arith.constant 5.000000e-01 : f32
    %mul3A_44 = vector.broadcast %mul3A : f32 to vector<4096x256xf32>
    %mul3A_45 = arith.mulf %mul3A_44, %add3A : vector<4096x256xf32>
    %mul3A_46 = arith.constant 0.707106769 : f32
    %mul3A_47 = vector.broadcast %mul3A_46 : f32 to vector<4096x256xf32>
    %mul3A_48 = arith.mulf %add3A, %mul3A_47 : vector<4096x256xf32>
    %erf3A = math.erf %mul3A_48 : vector<4096x256xf32>
    %add3A_49 = arith.constant 1.000000e+00 : f32
    %add3A_50 = vector.broadcast %add3A_49 : f32 to vector<4096x256xf32>
    %add3A_51 = arith.addf %add3A_50, %erf3A : vector<4096x256xf32>
    %mul3A_52 = arith.mulf %mul3A_45, %add3A_51 : vector<4096x256xf32>
    %get3A_53 = arith.constant 0 : index
    %get3A_54 = arith.constant 0 : index
    %get3A_55 = arith.constant 0 : index
    %get3A_56 = vector.load %arg3[%get3A_53, %get3A_54, %get3A_55] : memref<1x1x4096xi32, #tpu.memory_space<vmem>>, vector<1x1x4096xi32>
    %get3A_57 = vector.shape_cast %get3A_56 : vector<1x1x4096xi32> to vector<1x4096xi32>
    %get3A_58 = arith.constant 0 : index
    %get3A_59 = arith.constant 0 : index
    %get3A_60 = arith.constant 0 : index
    %get3A_61 = vector.load %arg4[%get3A_58, %get3A_59, %get3A_60] : memref<1x1x4096xf32, #tpu.memory_space<vmem>>, vector<1x1x4096xf32>
    %get3A_62 = vector.shape_cast %get3A_61 : vector<1x1x4096xf32> to vector<1x4096xf32>
    %iota3A_63 = tpu.iota {dimensions = array<i32: 0>} : vector<128x1xi32>
    %iota3A_64 = tpu.iota {dimensions = array<i32: 1>} : vector<1x256xi32>
    %jit3A_65 = arith.constant 16 : i32
    %div3A_66 = vector.broadcast %jit3A_65 : i32 to vector<1x256xi32>
    %div3A_67 = arith.divsi %iota3A_64, %div3A_66 : vector<1x256xi32>
    %sign3A_68 = arith.constant 0 : i32
    %sign3A_69 = vector.broadcast %sign3A_68 : i32 to vector<1x256xi32>
    %sign3A_70 = arith.cmpi sgt, %iota3A_64, %sign3A_69 : vector<1x256xi32>
    %sign3A_71 = arith.extui %sign3A_70 : vector<1x256xi1> to vector<1x256xi32>
    %sign3A_72 = arith.constant 0 : i32
    %sign3A_73 = vector.broadcast %sign3A_72 : i32 to vector<1x256xi32>
    %sign3A_74 = arith.cmpi slt, %iota3A_64, %sign3A_73 : vector<1x256xi32>
    %sign3A_75 = arith.extui %sign3A_74 : vector<1x256xi1> to vector<1x256xi32>
    %sign3A_76 = arith.subi %sign3A_71, %sign3A_75 : vector<1x256xi32>
    %sign3A_77 = arith.constant 0 : i32
    %sign3A_78 = arith.cmpi sgt, %jit3A_65, %sign3A_77 : i32
    %sign3A_79 = arith.extui %sign3A_78 : i1 to i32
    %sign3A_80 = arith.constant 0 : i32
    %sign3A_81 = arith.cmpi slt, %jit3A_65, %sign3A_80 : i32
    %sign3A_82 = arith.extui %sign3A_81 : i1 to i32
    %sign3A_83 = arith.subi %sign3A_79, %sign3A_82 : i32
    %ne3A_84 = vector.broadcast %sign3A_83 : i32 to vector<1x256xi32>
    %ne3A_85 = arith.cmpi ne, %sign3A_76, %ne3A_84 : vector<1x256xi32>
    %rem3A_86 = vector.broadcast %jit3A_65 : i32 to vector<1x256xi32>
    %rem3A_87 = arith.remsi %iota3A_64, %rem3A_86 : vector<1x256xi32>
    %ne3A_88 = arith.constant 0 : i32
    %ne3A_89 = vector.broadcast %ne3A_88 : i32 to vector<1x256xi32>
    %ne3A_90 = arith.cmpi ne, %rem3A_87, %ne3A_89 : vector<1x256xi32>
    %and3A_91 = arith.andi %ne3A_85, %ne3A_90 : vector<1x256xi1>
    %sub3A_92 = arith.constant 1 : i32
    %sub3A_93 = vector.broadcast %sub3A_92 : i32 to vector<1x256xi32>
    %sub3A_94 = arith.subi %div3A_67, %sub3A_93 : vector<1x256xi32>
    %select_n3A_95 = arith.select %and3A_91, %sub3A_94, %div3A_67 : vector<1x256xi1>, vector<1x256xi32>
    %convert_element_type3A_96 = arith.truncf %mul3A_52 : vector<4096x256xf32> to vector<4096x256xbf16>
    %broadcast_in_dim3A_97 = arith.constant 1.000000e+00 : bf16
    %broadcast_in_dim3A_98 = vector.broadcast %broadcast_in_dim3A_97 : bf16 to vector<256x1xbf16>
    %slice3A = vector.extract_strided_slice %get3A_57 {offsets = [0, 0], sizes = [1, 256], strides = [1, 1]} : vector<1x4096xi32> to vector<1x256xi32>
    %mul3A_99 = arith.constant 16 : i32
    %mul3A_100 = vector.broadcast %mul3A_99 : i32 to vector<1x256xi32>
    %mul3A_101 = arith.muli %slice3A, %mul3A_100 : vector<1x256xi32>
    %add3A_102 = arith.addi %mul3A_101, %select_n3A_95 : vector<1x256xi32>
    %eq3A_103 = vector.broadcast %iota3A_63 : vector<128x1xi32> to vector<128x256xi32>
    %eq3A_104 = vector.broadcast %add3A_102 : vector<1x256xi32> to vector<128x256xi32>
    %eq3A_105 = arith.cmpi eq, %eq3A_103, %eq3A_104 : vector<128x256xi32>
    %convert_element_type3A_106 = arith.extui %eq3A_105 : vector<128x256xi1> to vector<128x256xi32>
    %convert_element_type3A_107 = arith.sitofp %convert_element_type3A_106 : vector<128x256xi32> to vector<128x256xf32>
    %convert_element_type3A_108 = arith.truncf %convert_element_type3A_107 : vector<128x256xf32> to vector<128x256xbf16>
    %slice3A_109 = vector.extract_strided_slice %get3A_62 {offsets = [0, 0], sizes = [1, 256], strides = [1, 1]} : vector<1x4096xf32> to vector<1x256xf32>
    %convert_element_type3A_110 = arith.truncf %slice3A_109 : vector<1x256xf32> to vector<1x256xbf16>
    %mul3A_111 = vector.broadcast %convert_element_type3A_110 : vector<1x256xbf16> to vector<128x256xbf16>
    %mul3A_112 = arith.mulf %convert_element_type3A_108, %mul3A_111 : vector<128x256xbf16>
    %slice3A_113 = vector.extract_strided_slice %convert_element_type3A_96 {offsets = [0, 0], sizes = [256, 256], strides = [1, 1]} : vector<4096x256xbf16> to vector<256x256xbf16>
    %dot_general3A_114 = arith.constant dense<0.000000e+00> : vector<128x256xf32>
    %dot_general3A_115 = tpu.matmul %mul3A_112, %slice3A_113, %dot_general3A_114 {dimension_numbers = #tpu.dot_dimension_numbers<[1], [0], [0], [1], [0, 0, 1, 1], [], []>, transpose_lhs_hint = false} : vector<128x256xbf16>, vector<256x256xbf16>, vector<128x256xf32> -> vector<128x256xf32>
    %dot_general3A_116 = arith.constant dense<0.000000e+00> : vector<128x1xf32>
    %dot_general3A_117 = tpu.matmul %mul3A_112, %broadcast_in_dim3A_98, %dot_general3A_116 {dimension_numbers = #tpu.dot_dimension_numbers<[1], [0], [0], [1], [0, 0, 1, 1], [], []>, transpose_lhs_hint = false} : vector<128x256xbf16>, vector<256x1xbf16>, vector<128x1xf32> -> vector<128x1xf32>
    %slice3A_118 = vector.extract_strided_slice %get3A_57 {offsets = [0, 256], sizes = [1, 256], strides = [1, 1]} : vector<1x4096xi32> to vector<1x256xi32>
    %mul3A_119 = arith.constant 16 : i32
    %mul3A_120 = vector.broadcast %mul3A_119 : i32 to vector<1x256xi32>
    %mul3A_121 = arith.muli %slice3A_118, %mul3A_120 : vector<1x256xi32>
    %add3A_122 = arith.addi %mul3A_121, %select_n3A_95 : vector<1x256xi32>
    %eq3A_123 = vector.broadcast %iota3A_63 : vector<128x1xi32> to vector<128x256xi32>
    %eq3A_124 = vector.broadcast %add3A_122 : vector<1x256xi32> to vector<128x256xi32>
    %eq3A_125 = arith.cmpi eq, %eq3A_123, %eq3A_124 : vector<128x256xi32>
    %convert_element_type3A_126 = arith.extui %eq3A_125 : vector<128x256xi1> to vector<128x256xi32>
    %convert_element_type3A_127 = arith.sitofp %convert_element_type3A_126 : vector<128x256xi32> to vector<128x256xf32>
    %convert_element_type3A_128 = arith.truncf %convert_element_type3A_127 : vector<128x256xf32> to vector<128x256xbf16>
    %slice3A_129 = vector.extract_strided_slice %get3A_62 {offsets = [0, 256], sizes = [1, 256], strides = [1, 1]} : vector<1x4096xf32> to vector<1x256xf32>
    %convert_element_type3A_130 = arith.truncf %slice3A_129 : vector<1x256xf32> to vector<1x256xbf16>
    %mul3A_131 = vector.broadcast %convert_element_type3A_130 : vector<1x256xbf16> to vector<128x256xbf16>
    %mul3A_132 = arith.mulf %convert_element_type3A_128, %mul3A_131 : vector<128x256xbf16>
    %slice3A_133 = vector.extract_strided_slice %convert_element_type3A_96 {offsets = [256, 0], sizes = [256, 256], strides = [1, 1]} : vector<4096x256xbf16> to vector<256x256xbf16>
    %dot_general3A_134 = arith.constant dense<0.000000e+00> : vector<128x256xf32>
    %dot_general3A_135 = tpu.matmul %mul3A_132, %slice3A_133, %dot_general3A_134 {dimension_numbers = #tpu.dot_dimension_numbers<[1], [0], [0], [1], [0, 0, 1, 1], [], []>, transpose_lhs_hint = false} : vector<128x256xbf16>, vector<256x256xbf16>, vector<128x256xf32> -> vector<128x256xf32>
    %dot_general3A_136 = arith.constant dense<0.000000e+00> : vector<128x1xf32>
    %dot_general3A_137 = tpu.matmul %mul3A_132, %broadcast_in_dim3A_98, %dot_general3A_136 {dimension_numbers = #tpu.dot_dimension_numbers<[1], [0], [0], [1], [0, 0, 1, 1], [], []>, transpose_lhs_hint = false} : vector<128x256xbf16>, vector<256x1xbf16>, vector<128x1xf32> -> vector<128x1xf32>
    %slice3A_138 = vector.extract_strided_slice %get3A_57 {offsets = [0, 512], sizes = [1, 256], strides = [1, 1]} : vector<1x4096xi32> to vector<1x256xi32>
    %mul3A_139 = arith.constant 16 : i32
    %mul3A_140 = vector.broadcast %mul3A_139 : i32 to vector<1x256xi32>
    %mul3A_141 = arith.muli %slice3A_138, %mul3A_140 : vector<1x256xi32>
    %add3A_142 = arith.addi %mul3A_141, %select_n3A_95 : vector<1x256xi32>
    %eq3A_143 = vector.broadcast %iota3A_63 : vector<128x1xi32> to vector<128x256xi32>
    %eq3A_144 = vector.broadcast %add3A_142 : vector<1x256xi32> to vector<128x256xi32>
    %eq3A_145 = arith.cmpi eq, %eq3A_143, %eq3A_144 : vector<128x256xi32>
    %convert_element_type3A_146 = arith.extui %eq3A_145 : vector<128x256xi1> to vector<128x256xi32>
    %convert_element_type3A_147 = arith.sitofp %convert_element_type3A_146 : vector<128x256xi32> to vector<128x256xf32>
    %convert_element_type3A_148 = arith.truncf %convert_element_type3A_147 : vector<128x256xf32> to vector<128x256xbf16>
    %slice3A_149 = vector.extract_strided_slice %get3A_62 {offsets = [0, 512], sizes = [1, 256], strides = [1, 1]} : vector<1x4096xf32> to vector<1x256xf32>
    %convert_element_type3A_150 = arith.truncf %slice3A_149 : vector<1x256xf32> to vector<1x256xbf16>
    %mul3A_151 = vector.broadcast %convert_element_type3A_150 : vector<1x256xbf16> to vector<128x256xbf16>
    %mul3A_152 = arith.mulf %convert_element_type3A_148, %mul3A_151 : vector<128x256xbf16>
    %slice3A_153 = vector.extract_strided_slice %convert_element_type3A_96 {offsets = [512, 0], sizes = [256, 256], strides = [1, 1]} : vector<4096x256xbf16> to vector<256x256xbf16>
    %dot_general3A_154 = arith.constant dense<0.000000e+00> : vector<128x256xf32>
    %dot_general3A_155 = tpu.matmul %mul3A_152, %slice3A_153, %dot_general3A_154 {dimension_numbers = #tpu.dot_dimension_numbers<[1], [0], [0], [1], [0, 0, 1, 1], [], []>, transpose_lhs_hint = false} : vector<128x256xbf16>, vector<256x256xbf16>, vector<128x256xf32> -> vector<128x256xf32>
    %dot_general3A_156 = arith.constant dense<0.000000e+00> : vector<128x1xf32>
    %dot_general3A_157 = tpu.matmul %mul3A_152, %broadcast_in_dim3A_98, %dot_general3A_156 {dimension_numbers = #tpu.dot_dimension_numbers<[1], [0], [0], [1], [0, 0, 1, 1], [], []>, transpose_lhs_hint = false} : vector<128x256xbf16>, vector<256x1xbf16>, vector<128x1xf32> -> vector<128x1xf32>
    %slice3A_158 = vector.extract_strided_slice %get3A_57 {offsets = [0, 768], sizes = [1, 256], strides = [1, 1]} : vector<1x4096xi32> to vector<1x256xi32>
    %mul3A_159 = arith.constant 16 : i32
    %mul3A_160 = vector.broadcast %mul3A_159 : i32 to vector<1x256xi32>
    %mul3A_161 = arith.muli %slice3A_158, %mul3A_160 : vector<1x256xi32>
    %add3A_162 = arith.addi %mul3A_161, %select_n3A_95 : vector<1x256xi32>
    %eq3A_163 = vector.broadcast %iota3A_63 : vector<128x1xi32> to vector<128x256xi32>
    %eq3A_164 = vector.broadcast %add3A_162 : vector<1x256xi32> to vector<128x256xi32>
    %eq3A_165 = arith.cmpi eq, %eq3A_163, %eq3A_164 : vector<128x256xi32>
    %convert_element_type3A_166 = arith.extui %eq3A_165 : vector<128x256xi1> to vector<128x256xi32>
    %convert_element_type3A_167 = arith.sitofp %convert_element_type3A_166 : vector<128x256xi32> to vector<128x256xf32>
    %convert_element_type3A_168 = arith.truncf %convert_element_type3A_167 : vector<128x256xf32> to vector<128x256xbf16>
    %slice3A_169 = vector.extract_strided_slice %get3A_62 {offsets = [0, 768], sizes = [1, 256], strides = [1, 1]} : vector<1x4096xf32> to vector<1x256xf32>
    %convert_element_type3A_170 = arith.truncf %slice3A_169 : vector<1x256xf32> to vector<1x256xbf16>
    %mul3A_171 = vector.broadcast %convert_element_type3A_170 : vector<1x256xbf16> to vector<128x256xbf16>
    %mul3A_172 = arith.mulf %convert_element_type3A_168, %mul3A_171 : vector<128x256xbf16>
    %slice3A_173 = vector.extract_strided_slice %convert_element_type3A_96 {offsets = [768, 0], sizes = [256, 256], strides = [1, 1]} : vector<4096x256xbf16> to vector<256x256xbf16>
    %dot_general3A_174 = arith.constant dense<0.000000e+00> : vector<128x256xf32>
    %dot_general3A_175 = tpu.matmul %mul3A_172, %slice3A_173, %dot_general3A_174 {dimension_numbers = #tpu.dot_dimension_numbers<[1], [0], [0], [1], [0, 0, 1, 1], [], []>, transpose_lhs_hint = false} : vector<128x256xbf16>, vector<256x256xbf16>, vector<128x256xf32> -> vector<128x256xf32>
    %dot_general3A_176 = arith.constant dense<0.000000e+00> : vector<128x1xf32>
    %dot_general3A_177 = tpu.matmul %mul3A_172, %broadcast_in_dim3A_98, %dot_general3A_176 {dimension_numbers = #tpu.dot_dimension_numbers<[1], [0], [0], [1], [0, 0, 1, 1], [], []>, transpose_lhs_hint = false} : vector<128x256xbf16>, vector<256x1xbf16>, vector<128x1xf32> -> vector<128x1xf32>
    %slice3A_178 = vector.extract_strided_slice %get3A_57 {offsets = [0, 1024], sizes = [1, 256], strides = [1, 1]} : vector<1x4096xi32> to vector<1x256xi32>
    %mul3A_179 = arith.constant 16 : i32
    %mul3A_180 = vector.broadcast %mul3A_179 : i32 to vector<1x256xi32>
    %mul3A_181 = arith.muli %slice3A_178, %mul3A_180 : vector<1x256xi32>
    %add3A_182 = arith.addi %mul3A_181, %select_n3A_95 : vector<1x256xi32>
    %eq3A_183 = vector.broadcast %iota3A_63 : vector<128x1xi32> to vector<128x256xi32>
    %eq3A_184 = vector.broadcast %add3A_182 : vector<1x256xi32> to vector<128x256xi32>
    %eq3A_185 = arith.cmpi eq, %eq3A_183, %eq3A_184 : vector<128x256xi32>
    %convert_element_type3A_186 = arith.extui %eq3A_185 : vector<128x256xi1> to vector<128x256xi32>
    %convert_element_type3A_187 = arith.sitofp %convert_element_type3A_186 : vector<128x256xi32> to vector<128x256xf32>
    %convert_element_type3A_188 = arith.truncf %convert_element_type3A_187 : vector<128x256xf32> to vector<128x256xbf16>
    %slice3A_189 = vector.extract_strided_slice %get3A_62 {offsets = [0, 1024], sizes = [1, 256], strides = [1, 1]} : vector<1x4096xf32> to vector<1x256xf32>
    %convert_element_type3A_190 = arith.truncf %slice3A_189 : vector<1x256xf32> to vector<1x256xbf16>
    %mul3A_191 = vector.broadcast %convert_element_type3A_190 : vector<1x256xbf16> to vector<128x256xbf16>
    %mul3A_192 = arith.mulf %convert_element_type3A_188, %mul3A_191 : vector<128x256xbf16>
    %slice3A_193 = vector.extract_strided_slice %convert_element_type3A_96 {offsets = [1024, 0], sizes = [256, 256], strides = [1, 1]} : vector<4096x256xbf16> to vector<256x256xbf16>
    %dot_general3A_194 = arith.constant dense<0.000000e+00> : vector<128x256xf32>
    %dot_general3A_195 = tpu.matmul %mul3A_192, %slice3A_193, %dot_general3A_194 {dimension_numbers = #tpu.dot_dimension_numbers<[1], [0], [0], [1], [0, 0, 1, 1], [], []>, transpose_lhs_hint = false} : vector<128x256xbf16>, vector<256x256xbf16>, vector<128x256xf32> -> vector<128x256xf32>
    %dot_general3A_196 = arith.constant dense<0.000000e+00> : vector<128x1xf32>
    %dot_general3A_197 = tpu.matmul %mul3A_192, %broadcast_in_dim3A_98, %dot_general3A_196 {dimension_numbers = #tpu.dot_dimension_numbers<[1], [0], [0], [1], [0, 0, 1, 1], [], []>, transpose_lhs_hint = false} : vector<128x256xbf16>, vector<256x1xbf16>, vector<128x1xf32> -> vector<128x1xf32>
    %slice3A_198 = vector.extract_strided_slice %get3A_57 {offsets = [0, 1280], sizes = [1, 256], strides = [1, 1]} : vector<1x4096xi32> to vector<1x256xi32>
    %mul3A_199 = arith.constant 16 : i32
    %mul3A_200 = vector.broadcast %mul3A_199 : i32 to vector<1x256xi32>
    %mul3A_201 = arith.muli %slice3A_198, %mul3A_200 : vector<1x256xi32>
    %add3A_202 = arith.addi %mul3A_201, %select_n3A_95 : vector<1x256xi32>
    %eq3A_203 = vector.broadcast %iota3A_63 : vector<128x1xi32> to vector<128x256xi32>
    %eq3A_204 = vector.broadcast %add3A_202 : vector<1x256xi32> to vector<128x256xi32>
    %eq3A_205 = arith.cmpi eq, %eq3A_203, %eq3A_204 : vector<128x256xi32>
    %convert_element_type3A_206 = arith.extui %eq3A_205 : vector<128x256xi1> to vector<128x256xi32>
    %convert_element_type3A_207 = arith.sitofp %convert_element_type3A_206 : vector<128x256xi32> to vector<128x256xf32>
    %convert_element_type3A_208 = arith.truncf %convert_element_type3A_207 : vector<128x256xf32> to vector<128x256xbf16>
    %slice3A_209 = vector.extract_strided_slice %get3A_62 {offsets = [0, 1280], sizes = [1, 256], strides = [1, 1]} : vector<1x4096xf32> to vector<1x256xf32>
    %convert_element_type3A_210 = arith.truncf %slice3A_209 : vector<1x256xf32> to vector<1x256xbf16>
    %mul3A_211 = vector.broadcast %convert_element_type3A_210 : vector<1x256xbf16> to vector<128x256xbf16>
    %mul3A_212 = arith.mulf %convert_element_type3A_208, %mul3A_211 : vector<128x256xbf16>
    %slice3A_213 = vector.extract_strided_slice %convert_element_type3A_96 {offsets = [1280, 0], sizes = [256, 256], strides = [1, 1]} : vector<4096x256xbf16> to vector<256x256xbf16>
    %dot_general3A_214 = arith.constant dense<0.000000e+00> : vector<128x256xf32>
    %dot_general3A_215 = tpu.matmul %mul3A_212, %slice3A_213, %dot_general3A_214 {dimension_numbers = #tpu.dot_dimension_numbers<[1], [0], [0], [1], [0, 0, 1, 1], [], []>, transpose_lhs_hint = false} : vector<128x256xbf16>, vector<256x256xbf16>, vector<128x256xf32> -> vector<128x256xf32>
    %dot_general3A_216 = arith.constant dense<0.000000e+00> : vector<128x1xf32>
    %dot_general3A_217 = tpu.matmul %mul3A_212, %broadcast_in_dim3A_98, %dot_general3A_216 {dimension_numbers = #tpu.dot_dimension_numbers<[1], [0], [0], [1], [0, 0, 1, 1], [], []>, transpose_lhs_hint = false} : vector<128x256xbf16>, vector<256x1xbf16>, vector<128x1xf32> -> vector<128x1xf32>
    %slice3A_218 = vector.extract_strided_slice %get3A_57 {offsets = [0, 1536], sizes = [1, 256], strides = [1, 1]} : vector<1x4096xi32> to vector<1x256xi32>
    %mul3A_219 = arith.constant 16 : i32
    %mul3A_220 = vector.broadcast %mul3A_219 : i32 to vector<1x256xi32>
    %mul3A_221 = arith.muli %slice3A_218, %mul3A_220 : vector<1x256xi32>
    %add3A_222 = arith.addi %mul3A_221, %select_n3A_95 : vector<1x256xi32>
    %eq3A_223 = vector.broadcast %iota3A_63 : vector<128x1xi32> to vector<128x256xi32>
    %eq3A_224 = vector.broadcast %add3A_222 : vector<1x256xi32> to vector<128x256xi32>
    %eq3A_225 = arith.cmpi eq, %eq3A_223, %eq3A_224 : vector<128x256xi32>
    %convert_element_type3A_226 = arith.extui %eq3A_225 : vector<128x256xi1> to vector<128x256xi32>
    %convert_element_type3A_227 = arith.sitofp %convert_element_type3A_226 : vector<128x256xi32> to vector<128x256xf32>
    %convert_element_type3A_228 = arith.truncf %convert_element_type3A_227 : vector<128x256xf32> to vector<128x256xbf16>
    %slice3A_229 = vector.extract_strided_slice %get3A_62 {offsets = [0, 1536], sizes = [1, 256], strides = [1, 1]} : vector<1x4096xf32> to vector<1x256xf32>
    %convert_element_type3A_230 = arith.truncf %slice3A_229 : vector<1x256xf32> to vector<1x256xbf16>
    %mul3A_231 = vector.broadcast %convert_element_type3A_230 : vector<1x256xbf16> to vector<128x256xbf16>
    %mul3A_232 = arith.mulf %convert_element_type3A_228, %mul3A_231 : vector<128x256xbf16>
    %slice3A_233 = vector.extract_strided_slice %convert_element_type3A_96 {offsets = [1536, 0], sizes = [256, 256], strides = [1, 1]} : vector<4096x256xbf16> to vector<256x256xbf16>
    %dot_general3A_234 = arith.constant dense<0.000000e+00> : vector<128x256xf32>
    %dot_general3A_235 = tpu.matmul %mul3A_232, %slice3A_233, %dot_general3A_234 {dimension_numbers = #tpu.dot_dimension_numbers<[1], [0], [0], [1], [0, 0, 1, 1], [], []>, transpose_lhs_hint = false} : vector<128x256xbf16>, vector<256x256xbf16>, vector<128x256xf32> -> vector<128x256xf32>
    %dot_general3A_236 = arith.constant dense<0.000000e+00> : vector<128x1xf32>
    %dot_general3A_237 = tpu.matmul %mul3A_232, %broadcast_in_dim3A_98, %dot_general3A_236 {dimension_numbers = #tpu.dot_dimension_numbers<[1], [0], [0], [1], [0, 0, 1, 1], [], []>, transpose_lhs_hint = false} : vector<128x256xbf16>, vector<256x1xbf16>, vector<128x1xf32> -> vector<128x1xf32>
    %slice3A_238 = vector.extract_strided_slice %get3A_57 {offsets = [0, 1792], sizes = [1, 256], strides = [1, 1]} : vector<1x4096xi32> to vector<1x256xi32>
    %mul3A_239 = arith.constant 16 : i32
    %mul3A_240 = vector.broadcast %mul3A_239 : i32 to vector<1x256xi32>
    %mul3A_241 = arith.muli %slice3A_238, %mul3A_240 : vector<1x256xi32>
    %add3A_242 = arith.addi %mul3A_241, %select_n3A_95 : vector<1x256xi32>
    %eq3A_243 = vector.broadcast %iota3A_63 : vector<128x1xi32> to vector<128x256xi32>
    %eq3A_244 = vector.broadcast %add3A_242 : vector<1x256xi32> to vector<128x256xi32>
    %eq3A_245 = arith.cmpi eq, %eq3A_243, %eq3A_244 : vector<128x256xi32>
    %convert_element_type3A_246 = arith.extui %eq3A_245 : vector<128x256xi1> to vector<128x256xi32>
    %convert_element_type3A_247 = arith.sitofp %convert_element_type3A_246 : vector<128x256xi32> to vector<128x256xf32>
    %convert_element_type3A_248 = arith.truncf %convert_element_type3A_247 : vector<128x256xf32> to vector<128x256xbf16>
    %slice3A_249 = vector.extract_strided_slice %get3A_62 {offsets = [0, 1792], sizes = [1, 256], strides = [1, 1]} : vector<1x4096xf32> to vector<1x256xf32>
    %convert_element_type3A_250 = arith.truncf %slice3A_249 : vector<1x256xf32> to vector<1x256xbf16>
    %mul3A_251 = vector.broadcast %convert_element_type3A_250 : vector<1x256xbf16> to vector<128x256xbf16>
    %mul3A_252 = arith.mulf %convert_element_type3A_248, %mul3A_251 : vector<128x256xbf16>
    %slice3A_253 = vector.extract_strided_slice %convert_element_type3A_96 {offsets = [1792, 0], sizes = [256, 256], strides = [1, 1]} : vector<4096x256xbf16> to vector<256x256xbf16>
    %dot_general3A_254 = arith.constant dense<0.000000e+00> : vector<128x256xf32>
    %dot_general3A_255 = tpu.matmul %mul3A_252, %slice3A_253, %dot_general3A_254 {dimension_numbers = #tpu.dot_dimension_numbers<[1], [0], [0], [1], [0, 0, 1, 1], [], []>, transpose_lhs_hint = false} : vector<128x256xbf16>, vector<256x256xbf16>, vector<128x256xf32> -> vector<128x256xf32>
    %dot_general3A_256 = arith.constant dense<0.000000e+00> : vector<128x1xf32>
    %dot_general3A_257 = tpu.matmul %mul3A_252, %broadcast_in_dim3A_98, %dot_general3A_256 {dimension_numbers = #tpu.dot_dimension_numbers<[1], [0], [0], [1], [0, 0, 1, 1], [], []>, transpose_lhs_hint = false} : vector<128x256xbf16>, vector<256x1xbf16>, vector<128x1xf32> -> vector<128x1xf32>
    %slice3A_258 = vector.extract_strided_slice %get3A_57 {offsets = [0, 2048], sizes = [1, 256], strides = [1, 1]} : vector<1x4096xi32> to vector<1x256xi32>
    %mul3A_259 = arith.constant 16 : i32
    %mul3A_260 = vector.broadcast %mul3A_259 : i32 to vector<1x256xi32>
    %mul3A_261 = arith.muli %slice3A_258, %mul3A_260 : vector<1x256xi32>
    %add3A_262 = arith.addi %mul3A_261, %select_n3A_95 : vector<1x256xi32>
    %eq3A_263 = vector.broadcast %iota3A_63 : vector<128x1xi32> to vector<128x256xi32>
    %eq3A_264 = vector.broadcast %add3A_262 : vector<1x256xi32> to vector<128x256xi32>
    %eq3A_265 = arith.cmpi eq, %eq3A_263, %eq3A_264 : vector<128x256xi32>
    %convert_element_type3A_266 = arith.extui %eq3A_265 : vector<128x256xi1> to vector<128x256xi32>
    %convert_element_type3A_267 = arith.sitofp %convert_element_type3A_266 : vector<128x256xi32> to vector<128x256xf32>
    %convert_element_type3A_268 = arith.truncf %convert_element_type3A_267 : vector<128x256xf32> to vector<128x256xbf16>
    %slice3A_269 = vector.extract_strided_slice %get3A_62 {offsets = [0, 2048], sizes = [1, 256], strides = [1, 1]} : vector<1x4096xf32> to vector<1x256xf32>
    %convert_element_type3A_270 = arith.truncf %slice3A_269 : vector<1x256xf32> to vector<1x256xbf16>
    %mul3A_271 = vector.broadcast %convert_element_type3A_270 : vector<1x256xbf16> to vector<128x256xbf16>
    %mul3A_272 = arith.mulf %convert_element_type3A_268, %mul3A_271 : vector<128x256xbf16>
    %slice3A_273 = vector.extract_strided_slice %convert_element_type3A_96 {offsets = [2048, 0], sizes = [256, 256], strides = [1, 1]} : vector<4096x256xbf16> to vector<256x256xbf16>
    %dot_general3A_274 = arith.constant dense<0.000000e+00> : vector<128x256xf32>
    %dot_general3A_275 = tpu.matmul %mul3A_272, %slice3A_273, %dot_general3A_274 {dimension_numbers = #tpu.dot_dimension_numbers<[1], [0], [0], [1], [0, 0, 1, 1], [], []>, transpose_lhs_hint = false} : vector<128x256xbf16>, vector<256x256xbf16>, vector<128x256xf32> -> vector<128x256xf32>
    %dot_general3A_276 = arith.constant dense<0.000000e+00> : vector<128x1xf32>
    %dot_general3A_277 = tpu.matmul %mul3A_272, %broadcast_in_dim3A_98, %dot_general3A_276 {dimension_numbers = #tpu.dot_dimension_numbers<[1], [0], [0], [1], [0, 0, 1, 1], [], []>, transpose_lhs_hint = false} : vector<128x256xbf16>, vector<256x1xbf16>, vector<128x1xf32> -> vector<128x1xf32>
    %slice3A_278 = vector.extract_strided_slice %get3A_57 {offsets = [0, 2304], sizes = [1, 256], strides = [1, 1]} : vector<1x4096xi32> to vector<1x256xi32>
    %mul3A_279 = arith.constant 16 : i32
    %mul3A_280 = vector.broadcast %mul3A_279 : i32 to vector<1x256xi32>
    %mul3A_281 = arith.muli %slice3A_278, %mul3A_280 : vector<1x256xi32>
    %add3A_282 = arith.addi %mul3A_281, %select_n3A_95 : vector<1x256xi32>
    %eq3A_283 = vector.broadcast %iota3A_63 : vector<128x1xi32> to vector<128x256xi32>
    %eq3A_284 = vector.broadcast %add3A_282 : vector<1x256xi32> to vector<128x256xi32>
    %eq3A_285 = arith.cmpi eq, %eq3A_283, %eq3A_284 : vector<128x256xi32>
    %convert_element_type3A_286 = arith.extui %eq3A_285 : vector<128x256xi1> to vector<128x256xi32>
    %convert_element_type3A_287 = arith.sitofp %convert_element_type3A_286 : vector<128x256xi32> to vector<128x256xf32>
    %convert_element_type3A_288 = arith.truncf %convert_element_type3A_287 : vector<128x256xf32> to vector<128x256xbf16>
    %slice3A_289 = vector.extract_strided_slice %get3A_62 {offsets = [0, 2304], sizes = [1, 256], strides = [1, 1]} : vector<1x4096xf32> to vector<1x256xf32>
    %convert_element_type3A_290 = arith.truncf %slice3A_289 : vector<1x256xf32> to vector<1x256xbf16>
    %mul3A_291 = vector.broadcast %convert_element_type3A_290 : vector<1x256xbf16> to vector<128x256xbf16>
    %mul3A_292 = arith.mulf %convert_element_type3A_288, %mul3A_291 : vector<128x256xbf16>
    %slice3A_293 = vector.extract_strided_slice %convert_element_type3A_96 {offsets = [2304, 0], sizes = [256, 256], strides = [1, 1]} : vector<4096x256xbf16> to vector<256x256xbf16>
    %dot_general3A_294 = arith.constant dense<0.000000e+00> : vector<128x256xf32>
    %dot_general3A_295 = tpu.matmul %mul3A_292, %slice3A_293, %dot_general3A_294 {dimension_numbers = #tpu.dot_dimension_numbers<[1], [0], [0], [1], [0, 0, 1, 1], [], []>, transpose_lhs_hint = false} : vector<128x256xbf16>, vector<256x256xbf16>, vector<128x256xf32> -> vector<128x256xf32>
    %dot_general3A_296 = arith.constant dense<0.000000e+00> : vector<128x1xf32>
    %dot_general3A_297 = tpu.matmul %mul3A_292, %broadcast_in_dim3A_98, %dot_general3A_296 {dimension_numbers = #tpu.dot_dimension_numbers<[1], [0], [0], [1], [0, 0, 1, 1], [], []>, transpose_lhs_hint = false} : vector<128x256xbf16>, vector<256x1xbf16>, vector<128x1xf32> -> vector<128x1xf32>
    %slice3A_298 = vector.extract_strided_slice %get3A_57 {offsets = [0, 2560], sizes = [1, 256], strides = [1, 1]} : vector<1x4096xi32> to vector<1x256xi32>
    %mul3A_299 = arith.constant 16 : i32
    %mul3A_300 = vector.broadcast %mul3A_299 : i32 to vector<1x256xi32>
    %mul3A_301 = arith.muli %slice3A_298, %mul3A_300 : vector<1x256xi32>
    %add3A_302 = arith.addi %mul3A_301, %select_n3A_95 : vector<1x256xi32>
    %eq3A_303 = vector.broadcast %iota3A_63 : vector<128x1xi32> to vector<128x256xi32>
    %eq3A_304 = vector.broadcast %add3A_302 : vector<1x256xi32> to vector<128x256xi32>
    %eq3A_305 = arith.cmpi eq, %eq3A_303, %eq3A_304 : vector<128x256xi32>
    %convert_element_type3A_306 = arith.extui %eq3A_305 : vector<128x256xi1> to vector<128x256xi32>
    %convert_element_type3A_307 = arith.sitofp %convert_element_type3A_306 : vector<128x256xi32> to vector<128x256xf32>
    %convert_element_type3A_308 = arith.truncf %convert_element_type3A_307 : vector<128x256xf32> to vector<128x256xbf16>
    %slice3A_309 = vector.extract_strided_slice %get3A_62 {offsets = [0, 2560], sizes = [1, 256], strides = [1, 1]} : vector<1x4096xf32> to vector<1x256xf32>
    %convert_element_type3A_310 = arith.truncf %slice3A_309 : vector<1x256xf32> to vector<1x256xbf16>
    %mul3A_311 = vector.broadcast %convert_element_type3A_310 : vector<1x256xbf16> to vector<128x256xbf16>
    %mul3A_312 = arith.mulf %convert_element_type3A_308, %mul3A_311 : vector<128x256xbf16>
    %slice3A_313 = vector.extract_strided_slice %convert_element_type3A_96 {offsets = [2560, 0], sizes = [256, 256], strides = [1, 1]} : vector<4096x256xbf16> to vector<256x256xbf16>
    %dot_general3A_314 = arith.constant dense<0.000000e+00> : vector<128x256xf32>
    %dot_general3A_315 = tpu.matmul %mul3A_312, %slice3A_313, %dot_general3A_314 {dimension_numbers = #tpu.dot_dimension_numbers<[1], [0], [0], [1], [0, 0, 1, 1], [], []>, transpose_lhs_hint = false} : vector<128x256xbf16>, vector<256x256xbf16>, vector<128x256xf32> -> vector<128x256xf32>
    %dot_general3A_316 = arith.constant dense<0.000000e+00> : vector<128x1xf32>
    %dot_general3A_317 = tpu.matmul %mul3A_312, %broadcast_in_dim3A_98, %dot_general3A_316 {dimension_numbers = #tpu.dot_dimension_numbers<[1], [0], [0], [1], [0, 0, 1, 1], [], []>, transpose_lhs_hint = false} : vector<128x256xbf16>, vector<256x1xbf16>, vector<128x1xf32> -> vector<128x1xf32>
    %slice3A_318 = vector.extract_strided_slice %get3A_57 {offsets = [0, 2816], sizes = [1, 256], strides = [1, 1]} : vector<1x4096xi32> to vector<1x256xi32>
    %mul3A_319 = arith.constant 16 : i32
    %mul3A_320 = vector.broadcast %mul3A_319 : i32 to vector<1x256xi32>
    %mul3A_321 = arith.muli %slice3A_318, %mul3A_320 : vector<1x256xi32>
    %add3A_322 = arith.addi %mul3A_321, %select_n3A_95 : vector<1x256xi32>
    %eq3A_323 = vector.broadcast %iota3A_63 : vector<128x1xi32> to vector<128x256xi32>
    %eq3A_324 = vector.broadcast %add3A_322 : vector<1x256xi32> to vector<128x256xi32>
    %eq3A_325 = arith.cmpi eq, %eq3A_323, %eq3A_324 : vector<128x256xi32>
    %convert_element_type3A_326 = arith.extui %eq3A_325 : vector<128x256xi1> to vector<128x256xi32>
    %convert_element_type3A_327 = arith.sitofp %convert_element_type3A_326 : vector<128x256xi32> to vector<128x256xf32>
    %convert_element_type3A_328 = arith.truncf %convert_element_type3A_327 : vector<128x256xf32> to vector<128x256xbf16>
    %slice3A_329 = vector.extract_strided_slice %get3A_62 {offsets = [0, 2816], sizes = [1, 256], strides = [1, 1]} : vector<1x4096xf32> to vector<1x256xf32>
    %convert_element_type3A_330 = arith.truncf %slice3A_329 : vector<1x256xf32> to vector<1x256xbf16>
    %mul3A_331 = vector.broadcast %convert_element_type3A_330 : vector<1x256xbf16> to vector<128x256xbf16>
    %mul3A_332 = arith.mulf %convert_element_type3A_328, %mul3A_331 : vector<128x256xbf16>
    %slice3A_333 = vector.extract_strided_slice %convert_element_type3A_96 {offsets = [2816, 0], sizes = [256, 256], strides = [1, 1]} : vector<4096x256xbf16> to vector<256x256xbf16>
    %dot_general3A_334 = arith.constant dense<0.000000e+00> : vector<128x256xf32>
    %dot_general3A_335 = tpu.matmul %mul3A_332, %slice3A_333, %dot_general3A_334 {dimension_numbers = #tpu.dot_dimension_numbers<[1], [0], [0], [1], [0, 0, 1, 1], [], []>, transpose_lhs_hint = false} : vector<128x256xbf16>, vector<256x256xbf16>, vector<128x256xf32> -> vector<128x256xf32>
    %dot_general3A_336 = arith.constant dense<0.000000e+00> : vector<128x1xf32>
    %dot_general3A_337 = tpu.matmul %mul3A_332, %broadcast_in_dim3A_98, %dot_general3A_336 {dimension_numbers = #tpu.dot_dimension_numbers<[1], [0], [0], [1], [0, 0, 1, 1], [], []>, transpose_lhs_hint = false} : vector<128x256xbf16>, vector<256x1xbf16>, vector<128x1xf32> -> vector<128x1xf32>
    %slice3A_338 = vector.extract_strided_slice %get3A_57 {offsets = [0, 3072], sizes = [1, 256], strides = [1, 1]} : vector<1x4096xi32> to vector<1x256xi32>
    %mul3A_339 = arith.constant 16 : i32
    %mul3A_340 = vector.broadcast %mul3A_339 : i32 to vector<1x256xi32>
    %mul3A_341 = arith.muli %slice3A_338, %mul3A_340 : vector<1x256xi32>
    %add3A_342 = arith.addi %mul3A_341, %select_n3A_95 : vector<1x256xi32>
    %eq3A_343 = vector.broadcast %iota3A_63 : vector<128x1xi32> to vector<128x256xi32>
    %eq3A_344 = vector.broadcast %add3A_342 : vector<1x256xi32> to vector<128x256xi32>
    %eq3A_345 = arith.cmpi eq, %eq3A_343, %eq3A_344 : vector<128x256xi32>
    %convert_element_type3A_346 = arith.extui %eq3A_345 : vector<128x256xi1> to vector<128x256xi32>
    %convert_element_type3A_347 = arith.sitofp %convert_element_type3A_346 : vector<128x256xi32> to vector<128x256xf32>
    %convert_element_type3A_348 = arith.truncf %convert_element_type3A_347 : vector<128x256xf32> to vector<128x256xbf16>
    %slice3A_349 = vector.extract_strided_slice %get3A_62 {offsets = [0, 3072], sizes = [1, 256], strides = [1, 1]} : vector<1x4096xf32> to vector<1x256xf32>
    %convert_element_type3A_350 = arith.truncf %slice3A_349 : vector<1x256xf32> to vector<1x256xbf16>
    %mul3A_351 = vector.broadcast %convert_element_type3A_350 : vector<1x256xbf16> to vector<128x256xbf16>
    %mul3A_352 = arith.mulf %convert_element_type3A_348, %mul3A_351 : vector<128x256xbf16>
    %slice3A_353 = vector.extract_strided_slice %convert_element_type3A_96 {offsets = [3072, 0], sizes = [256, 256], strides = [1, 1]} : vector<4096x256xbf16> to vector<256x256xbf16>
    %dot_general3A_354 = arith.constant dense<0.000000e+00> : vector<128x256xf32>
    %dot_general3A_355 = tpu.matmul %mul3A_352, %slice3A_353, %dot_general3A_354 {dimension_numbers = #tpu.dot_dimension_numbers<[1], [0], [0], [1], [0, 0, 1, 1], [], []>, transpose_lhs_hint = false} : vector<128x256xbf16>, vector<256x256xbf16>, vector<128x256xf32> -> vector<128x256xf32>
    %dot_general3A_356 = arith.constant dense<0.000000e+00> : vector<128x1xf32>
    %dot_general3A_357 = tpu.matmul %mul3A_352, %broadcast_in_dim3A_98, %dot_general3A_356 {dimension_numbers = #tpu.dot_dimension_numbers<[1], [0], [0], [1], [0, 0, 1, 1], [], []>, transpose_lhs_hint = false} : vector<128x256xbf16>, vector<256x1xbf16>, vector<128x1xf32> -> vector<128x1xf32>
    %slice3A_358 = vector.extract_strided_slice %get3A_57 {offsets = [0, 3328], sizes = [1, 256], strides = [1, 1]} : vector<1x4096xi32> to vector<1x256xi32>
    %mul3A_359 = arith.constant 16 : i32
    %mul3A_360 = vector.broadcast %mul3A_359 : i32 to vector<1x256xi32>
    %mul3A_361 = arith.muli %slice3A_358, %mul3A_360 : vector<1x256xi32>
    %add3A_362 = arith.addi %mul3A_361, %select_n3A_95 : vector<1x256xi32>
    %eq3A_363 = vector.broadcast %iota3A_63 : vector<128x1xi32> to vector<128x256xi32>
    %eq3A_364 = vector.broadcast %add3A_362 : vector<1x256xi32> to vector<128x256xi32>
    %eq3A_365 = arith.cmpi eq, %eq3A_363, %eq3A_364 : vector<128x256xi32>
    %convert_element_type3A_366 = arith.extui %eq3A_365 : vector<128x256xi1> to vector<128x256xi32>
    %convert_element_type3A_367 = arith.sitofp %convert_element_type3A_366 : vector<128x256xi32> to vector<128x256xf32>
    %convert_element_type3A_368 = arith.truncf %convert_element_type3A_367 : vector<128x256xf32> to vector<128x256xbf16>
    %slice3A_369 = vector.extract_strided_slice %get3A_62 {offsets = [0, 3328], sizes = [1, 256], strides = [1, 1]} : vector<1x4096xf32> to vector<1x256xf32>
    %convert_element_type3A_370 = arith.truncf %slice3A_369 : vector<1x256xf32> to vector<1x256xbf16>
    %mul3A_371 = vector.broadcast %convert_element_type3A_370 : vector<1x256xbf16> to vector<128x256xbf16>
    %mul3A_372 = arith.mulf %convert_element_type3A_368, %mul3A_371 : vector<128x256xbf16>
    %slice3A_373 = vector.extract_strided_slice %convert_element_type3A_96 {offsets = [3328, 0], sizes = [256, 256], strides = [1, 1]} : vector<4096x256xbf16> to vector<256x256xbf16>
    %dot_general3A_374 = arith.constant dense<0.000000e+00> : vector<128x256xf32>
    %dot_general3A_375 = tpu.matmul %mul3A_372, %slice3A_373, %dot_general3A_374 {dimension_numbers = #tpu.dot_dimension_numbers<[1], [0], [0], [1], [0, 0, 1, 1], [], []>, transpose_lhs_hint = false} : vector<128x256xbf16>, vector<256x256xbf16>, vector<128x256xf32> -> vector<128x256xf32>
    %dot_general3A_376 = arith.constant dense<0.000000e+00> : vector<128x1xf32>
    %dot_general3A_377 = tpu.matmul %mul3A_372, %broadcast_in_dim3A_98, %dot_general3A_376 {dimension_numbers = #tpu.dot_dimension_numbers<[1], [0], [0], [1], [0, 0, 1, 1], [], []>, transpose_lhs_hint = false} : vector<128x256xbf16>, vector<256x1xbf16>, vector<128x1xf32> -> vector<128x1xf32>
    %slice3A_378 = vector.extract_strided_slice %get3A_57 {offsets = [0, 3584], sizes = [1, 256], strides = [1, 1]} : vector<1x4096xi32> to vector<1x256xi32>
    %mul3A_379 = arith.constant 16 : i32
    %mul3A_380 = vector.broadcast %mul3A_379 : i32 to vector<1x256xi32>
    %mul3A_381 = arith.muli %slice3A_378, %mul3A_380 : vector<1x256xi32>
    %add3A_382 = arith.addi %mul3A_381, %select_n3A_95 : vector<1x256xi32>
    %eq3A_383 = vector.broadcast %iota3A_63 : vector<128x1xi32> to vector<128x256xi32>
    %eq3A_384 = vector.broadcast %add3A_382 : vector<1x256xi32> to vector<128x256xi32>
    %eq3A_385 = arith.cmpi eq, %eq3A_383, %eq3A_384 : vector<128x256xi32>
    %convert_element_type3A_386 = arith.extui %eq3A_385 : vector<128x256xi1> to vector<128x256xi32>
    %convert_element_type3A_387 = arith.sitofp %convert_element_type3A_386 : vector<128x256xi32> to vector<128x256xf32>
    %convert_element_type3A_388 = arith.truncf %convert_element_type3A_387 : vector<128x256xf32> to vector<128x256xbf16>
    %slice3A_389 = vector.extract_strided_slice %get3A_62 {offsets = [0, 3584], sizes = [1, 256], strides = [1, 1]} : vector<1x4096xf32> to vector<1x256xf32>
    %convert_element_type3A_390 = arith.truncf %slice3A_389 : vector<1x256xf32> to vector<1x256xbf16>
    %mul3A_391 = vector.broadcast %convert_element_type3A_390 : vector<1x256xbf16> to vector<128x256xbf16>
    %mul3A_392 = arith.mulf %convert_element_type3A_388, %mul3A_391 : vector<128x256xbf16>
    %slice3A_393 = vector.extract_strided_slice %convert_element_type3A_96 {offsets = [3584, 0], sizes = [256, 256], strides = [1, 1]} : vector<4096x256xbf16> to vector<256x256xbf16>
    %dot_general3A_394 = arith.constant dense<0.000000e+00> : vector<128x256xf32>
    %dot_general3A_395 = tpu.matmul %mul3A_392, %slice3A_393, %dot_general3A_394 {dimension_numbers = #tpu.dot_dimension_numbers<[1], [0], [0], [1], [0, 0, 1, 1], [], []>, transpose_lhs_hint = false} : vector<128x256xbf16>, vector<256x256xbf16>, vector<128x256xf32> -> vector<128x256xf32>
    %dot_general3A_396 = arith.constant dense<0.000000e+00> : vector<128x1xf32>
    %dot_general3A_397 = tpu.matmul %mul3A_392, %broadcast_in_dim3A_98, %dot_general3A_396 {dimension_numbers = #tpu.dot_dimension_numbers<[1], [0], [0], [1], [0, 0, 1, 1], [], []>, transpose_lhs_hint = false} : vector<128x256xbf16>, vector<256x1xbf16>, vector<128x1xf32> -> vector<128x1xf32>
    %slice3A_398 = vector.extract_strided_slice %get3A_57 {offsets = [0, 3840], sizes = [1, 256], strides = [1, 1]} : vector<1x4096xi32> to vector<1x256xi32>
    %mul3A_399 = arith.constant 16 : i32
    %mul3A_400 = vector.broadcast %mul3A_399 : i32 to vector<1x256xi32>
    %mul3A_401 = arith.muli %slice3A_398, %mul3A_400 : vector<1x256xi32>
    %add3A_402 = arith.addi %mul3A_401, %select_n3A_95 : vector<1x256xi32>
    %eq3A_403 = vector.broadcast %iota3A_63 : vector<128x1xi32> to vector<128x256xi32>
    %eq3A_404 = vector.broadcast %add3A_402 : vector<1x256xi32> to vector<128x256xi32>
    %eq3A_405 = arith.cmpi eq, %eq3A_403, %eq3A_404 : vector<128x256xi32>
    %convert_element_type3A_406 = arith.extui %eq3A_405 : vector<128x256xi1> to vector<128x256xi32>
    %convert_element_type3A_407 = arith.sitofp %convert_element_type3A_406 : vector<128x256xi32> to vector<128x256xf32>
    %convert_element_type3A_408 = arith.truncf %convert_element_type3A_407 : vector<128x256xf32> to vector<128x256xbf16>
    %slice3A_409 = vector.extract_strided_slice %get3A_62 {offsets = [0, 3840], sizes = [1, 256], strides = [1, 1]} : vector<1x4096xf32> to vector<1x256xf32>
    %convert_element_type3A_410 = arith.truncf %slice3A_409 : vector<1x256xf32> to vector<1x256xbf16>
    %mul3A_411 = vector.broadcast %convert_element_type3A_410 : vector<1x256xbf16> to vector<128x256xbf16>
    %mul3A_412 = arith.mulf %convert_element_type3A_408, %mul3A_411 : vector<128x256xbf16>
    %slice3A_413 = vector.extract_strided_slice %convert_element_type3A_96 {offsets = [3840, 0], sizes = [256, 256], strides = [1, 1]} : vector<4096x256xbf16> to vector<256x256xbf16>
    %dot_general3A_414 = arith.constant dense<0.000000e+00> : vector<128x256xf32>
    %dot_general3A_415 = tpu.matmul %mul3A_412, %slice3A_413, %dot_general3A_414 {dimension_numbers = #tpu.dot_dimension_numbers<[1], [0], [0], [1], [0, 0, 1, 1], [], []>, transpose_lhs_hint = false} : vector<128x256xbf16>, vector<256x256xbf16>, vector<128x256xf32> -> vector<128x256xf32>
    %dot_general3A_416 = arith.constant dense<0.000000e+00> : vector<128x1xf32>
    %dot_general3A_417 = tpu.matmul %mul3A_412, %broadcast_in_dim3A_98, %dot_general3A_416 {dimension_numbers = #tpu.dot_dimension_numbers<[1], [0], [0], [1], [0, 0, 1, 1], [], []>, transpose_lhs_hint = false} : vector<128x256xbf16>, vector<256x1xbf16>, vector<128x1xf32> -> vector<128x1xf32>
    %broadcast_in_dim3A_418 = arith.constant 0.000000e+00 : f32
    %broadcast_in_dim3A_419 = vector.broadcast %broadcast_in_dim3A_418 : f32 to vector<256x256xf32>
    %slice3A_420 = vector.extract_strided_slice %dot_general3A_115 {offsets = [0, 0], sizes = [16, 256], strides = [1, 1]} : vector<128x256xf32> to vector<16x256xf32>
    %slice3A_421 = vector.extract_strided_slice %dot_general3A_135 {offsets = [0, 0], sizes = [16, 256], strides = [1, 1]} : vector<128x256xf32> to vector<16x256xf32>
    %slice3A_422 = vector.extract_strided_slice %dot_general3A_155 {offsets = [0, 0], sizes = [16, 256], strides = [1, 1]} : vector<128x256xf32> to vector<16x256xf32>
    %slice3A_423 = vector.extract_strided_slice %dot_general3A_175 {offsets = [0, 0], sizes = [16, 256], strides = [1, 1]} : vector<128x256xf32> to vector<16x256xf32>
    %slice3A_424 = vector.extract_strided_slice %dot_general3A_195 {offsets = [0, 0], sizes = [16, 256], strides = [1, 1]} : vector<128x256xf32> to vector<16x256xf32>
    %slice3A_425 = vector.extract_strided_slice %dot_general3A_215 {offsets = [0, 0], sizes = [16, 256], strides = [1, 1]} : vector<128x256xf32> to vector<16x256xf32>
    %slice3A_426 = vector.extract_strided_slice %dot_general3A_235 {offsets = [0, 0], sizes = [16, 256], strides = [1, 1]} : vector<128x256xf32> to vector<16x256xf32>
    %slice3A_427 = vector.extract_strided_slice %dot_general3A_255 {offsets = [0, 0], sizes = [16, 256], strides = [1, 1]} : vector<128x256xf32> to vector<16x256xf32>
    %slice3A_428 = vector.extract_strided_slice %dot_general3A_275 {offsets = [0, 0], sizes = [16, 256], strides = [1, 1]} : vector<128x256xf32> to vector<16x256xf32>
    %slice3A_429 = vector.extract_strided_slice %dot_general3A_295 {offsets = [0, 0], sizes = [16, 256], strides = [1, 1]} : vector<128x256xf32> to vector<16x256xf32>
    %slice3A_430 = vector.extract_strided_slice %dot_general3A_315 {offsets = [0, 0], sizes = [16, 256], strides = [1, 1]} : vector<128x256xf32> to vector<16x256xf32>
    %slice3A_431 = vector.extract_strided_slice %dot_general3A_335 {offsets = [0, 0], sizes = [16, 256], strides = [1, 1]} : vector<128x256xf32> to vector<16x256xf32>
    %slice3A_432 = vector.extract_strided_slice %dot_general3A_355 {offsets = [0, 0], sizes = [16, 256], strides = [1, 1]} : vector<128x256xf32> to vector<16x256xf32>
    %slice3A_433 = vector.extract_strided_slice %dot_general3A_375 {offsets = [0, 0], sizes = [16, 256], strides = [1, 1]} : vector<128x256xf32> to vector<16x256xf32>
    %slice3A_434 = vector.extract_strided_slice %dot_general3A_395 {offsets = [0, 0], sizes = [16, 256], strides = [1, 1]} : vector<128x256xf32> to vector<16x256xf32>
    %slice3A_435 = vector.extract_strided_slice %dot_general3A_415 {offsets = [0, 0], sizes = [16, 256], strides = [1, 1]} : vector<128x256xf32> to vector<16x256xf32>
    %concatenate3A_436 = tpu.concatenate %slice3A_420, %slice3A_421, %slice3A_422, %slice3A_423, %slice3A_424, %slice3A_425, %slice3A_426, %slice3A_427, %slice3A_428, %slice3A_429, %slice3A_430, %slice3A_431, %slice3A_432, %slice3A_433, %slice3A_434, %slice3A_435 in 0 : vector<16x256xf32>, vector<16x256xf32>, vector<16x256xf32>, vector<16x256xf32>, vector<16x256xf32>, vector<16x256xf32>, vector<16x256xf32>, vector<16x256xf32>, vector<16x256xf32>, vector<16x256xf32>, vector<16x256xf32>, vector<16x256xf32>, vector<16x256xf32>, vector<16x256xf32>, vector<16x256xf32>, vector<16x256xf32> -> vector<256x256xf32>
    %slice3A_437 = vector.extract_strided_slice %dot_general3A_117 {offsets = [0, 0], sizes = [16, 1], strides = [1, 1]} : vector<128x1xf32> to vector<16x1xf32>
    %slice3A_438 = vector.extract_strided_slice %dot_general3A_137 {offsets = [0, 0], sizes = [16, 1], strides = [1, 1]} : vector<128x1xf32> to vector<16x1xf32>
    %slice3A_439 = vector.extract_strided_slice %dot_general3A_157 {offsets = [0, 0], sizes = [16, 1], strides = [1, 1]} : vector<128x1xf32> to vector<16x1xf32>
    %slice3A_440 = vector.extract_strided_slice %dot_general3A_177 {offsets = [0, 0], sizes = [16, 1], strides = [1, 1]} : vector<128x1xf32> to vector<16x1xf32>
    %slice3A_441 = vector.extract_strided_slice %dot_general3A_197 {offsets = [0, 0], sizes = [16, 1], strides = [1, 1]} : vector<128x1xf32> to vector<16x1xf32>
    %slice3A_442 = vector.extract_strided_slice %dot_general3A_217 {offsets = [0, 0], sizes = [16, 1], strides = [1, 1]} : vector<128x1xf32> to vector<16x1xf32>
    %slice3A_443 = vector.extract_strided_slice %dot_general3A_237 {offsets = [0, 0], sizes = [16, 1], strides = [1, 1]} : vector<128x1xf32> to vector<16x1xf32>
    %slice3A_444 = vector.extract_strided_slice %dot_general3A_257 {offsets = [0, 0], sizes = [16, 1], strides = [1, 1]} : vector<128x1xf32> to vector<16x1xf32>
    %slice3A_445 = vector.extract_strided_slice %dot_general3A_277 {offsets = [0, 0], sizes = [16, 1], strides = [1, 1]} : vector<128x1xf32> to vector<16x1xf32>
    %slice3A_446 = vector.extract_strided_slice %dot_general3A_297 {offsets = [0, 0], sizes = [16, 1], strides = [1, 1]} : vector<128x1xf32> to vector<16x1xf32>
    %slice3A_447 = vector.extract_strided_slice %dot_general3A_317 {offsets = [0, 0], sizes = [16, 1], strides = [1, 1]} : vector<128x1xf32> to vector<16x1xf32>
    %slice3A_448 = vector.extract_strided_slice %dot_general3A_337 {offsets = [0, 0], sizes = [16, 1], strides = [1, 1]} : vector<128x1xf32> to vector<16x1xf32>
    %slice3A_449 = vector.extract_strided_slice %dot_general3A_357 {offsets = [0, 0], sizes = [16, 1], strides = [1, 1]} : vector<128x1xf32> to vector<16x1xf32>
    %slice3A_450 = vector.extract_strided_slice %dot_general3A_377 {offsets = [0, 0], sizes = [16, 1], strides = [1, 1]} : vector<128x1xf32> to vector<16x1xf32>
    %slice3A_451 = vector.extract_strided_slice %dot_general3A_397 {offsets = [0, 0], sizes = [16, 1], strides = [1, 1]} : vector<128x1xf32> to vector<16x1xf32>
    %slice3A_452 = vector.extract_strided_slice %dot_general3A_417 {offsets = [0, 0], sizes = [16, 1], strides = [1, 1]} : vector<128x1xf32> to vector<16x1xf32>
    %concatenate3A_453 = tpu.concatenate %slice3A_437, %slice3A_438, %slice3A_439, %slice3A_440, %slice3A_441, %slice3A_442, %slice3A_443, %slice3A_444, %slice3A_445, %slice3A_446, %slice3A_447, %slice3A_448, %slice3A_449, %slice3A_450, %slice3A_451, %slice3A_452 in 0 : vector<16x1xf32>, vector<16x1xf32>, vector<16x1xf32>, vector<16x1xf32>, vector<16x1xf32>, vector<16x1xf32>, vector<16x1xf32>, vector<16x1xf32>, vector<16x1xf32>, vector<16x1xf32>, vector<16x1xf32>, vector<16x1xf32>, vector<16x1xf32>, vector<16x1xf32>, vector<16x1xf32>, vector<16x1xf32> -> vector<256x1xf32>
    %convert_element_type3A_454 = arith.truncf %concatenate3A_436 : vector<256x256xf32> to vector<256x256xbf16>
    %get3A_455 = arith.constant 0 : index
    %get3A_456 = arith.constant 0 : index
    %get3A_457 = arith.constant 0 : index
    %get3A_458 = vector.load %arg9[%get3A_455, %get3A_456, %get3A_457] : memref<8x256x256xbf16, #tpu.memory_space<vmem>>, vector<1x256x256xbf16>
    %get3A_459 = vector.shape_cast %get3A_458 : vector<1x256x256xbf16> to vector<256x256xbf16>
    %dot_general3A_460 = arith.constant dense<0.000000e+00> : vector<256x256xf32>
    %dot_general3A_461 = tpu.matmul %convert_element_type3A_454, %get3A_459, %dot_general3A_460 {dimension_numbers = #tpu.dot_dimension_numbers<[1], [0], [0], [1], [0, 0, 1, 1], [], []>, transpose_lhs_hint = false} : vector<256x256xbf16>, vector<256x256xbf16>, vector<256x256xf32> -> vector<256x256xf32>
    %add3A_462 = arith.addf %broadcast_in_dim3A_419, %dot_general3A_461 : vector<256x256xf32>
    %get3A_463 = arith.constant 0 : index
    %get3A_464 = arith.constant 0 : index
    %get3A_465 = vector.load %arg10[%get3A_463, %get3A_464] : memref<8x256xf32, #tpu.memory_space<vmem>>, vector<1x256xf32>
    %get3A_466 = vector.shape_cast %get3A_465 : vector<1x256xf32> to vector<256xf32>
    %get3A_467 = arith.constant 0 : index
    %get3A_468 = arith.constant 0 : index
    %get3A_469 = vector.load %arg6[%get3A_467, %get3A_468] : memref<8x256xf32, #tpu.memory_space<vmem>>, vector<1x256xf32>
    %get3A_470 = vector.shape_cast %get3A_469 : vector<1x256xf32> to vector<256xf32>
    %add3A_471 = arith.addf %get3A_466, %get3A_470 : vector<256xf32>
    %broadcast_in_dim3A_472 = vector.shape_cast %add3A_471 : vector<256xf32> to vector<1x256xf32>
    %mul3A_473 = vector.broadcast %concatenate3A_453 : vector<256x1xf32> to vector<256x256xf32>
    %mul3A_474 = vector.broadcast %broadcast_in_dim3A_472 : vector<1x256xf32> to vector<256x256xf32>
    %mul3A_475 = arith.mulf %mul3A_473, %mul3A_474 : vector<256x256xf32>
    %add3A_476 = arith.addf %add3A_462, %mul3A_475 : vector<256x256xf32>
    %slice3A_477 = vector.extract_strided_slice %dot_general3A_115 {offsets = [16, 0], sizes = [16, 256], strides = [1, 1]} : vector<128x256xf32> to vector<16x256xf32>
    %slice3A_478 = vector.extract_strided_slice %dot_general3A_135 {offsets = [16, 0], sizes = [16, 256], strides = [1, 1]} : vector<128x256xf32> to vector<16x256xf32>
    %slice3A_479 = vector.extract_strided_slice %dot_general3A_155 {offsets = [16, 0], sizes = [16, 256], strides = [1, 1]} : vector<128x256xf32> to vector<16x256xf32>
    %slice3A_480 = vector.extract_strided_slice %dot_general3A_175 {offsets = [16, 0], sizes = [16, 256], strides = [1, 1]} : vector<128x256xf32> to vector<16x256xf32>
    %slice3A_481 = vector.extract_strided_slice %dot_general3A_195 {offsets = [16, 0], sizes = [16, 256], strides = [1, 1]} : vector<128x256xf32> to vector<16x256xf32>
    %slice3A_482 = vector.extract_strided_slice %dot_general3A_215 {offsets = [16, 0], sizes = [16, 256], strides = [1, 1]} : vector<128x256xf32> to vector<16x256xf32>
    %slice3A_483 = vector.extract_strided_slice %dot_general3A_235 {offsets = [16, 0], sizes = [16, 256], strides = [1, 1]} : vector<128x256xf32> to vector<16x256xf32>
    %slice3A_484 = vector.extract_strided_slice %dot_general3A_255 {offsets = [16, 0], sizes = [16, 256], strides = [1, 1]} : vector<128x256xf32> to vector<16x256xf32>
    %slice3A_485 = vector.extract_strided_slice %dot_general3A_275 {offsets = [16, 0], sizes = [16, 256], strides = [1, 1]} : vector<128x256xf32> to vector<16x256xf32>
    %slice3A_486 = vector.extract_strided_slice %dot_general3A_295 {offsets = [16, 0], sizes = [16, 256], strides = [1, 1]} : vector<128x256xf32> to vector<16x256xf32>
    %slice3A_487 = vector.extract_strided_slice %dot_general3A_315 {offsets = [16, 0], sizes = [16, 256], strides = [1, 1]} : vector<128x256xf32> to vector<16x256xf32>
    %slice3A_488 = vector.extract_strided_slice %dot_general3A_335 {offsets = [16, 0], sizes = [16, 256], strides = [1, 1]} : vector<128x256xf32> to vector<16x256xf32>
    %slice3A_489 = vector.extract_strided_slice %dot_general3A_355 {offsets = [16, 0], sizes = [16, 256], strides = [1, 1]} : vector<128x256xf32> to vector<16x256xf32>
    %slice3A_490 = vector.extract_strided_slice %dot_general3A_375 {offsets = [16, 0], sizes = [16, 256], strides = [1, 1]} : vector<128x256xf32> to vector<16x256xf32>
    %slice3A_491 = vector.extract_strided_slice %dot_general3A_395 {offsets = [16, 0], sizes = [16, 256], strides = [1, 1]} : vector<128x256xf32> to vector<16x256xf32>
    %slice3A_492 = vector.extract_strided_slice %dot_general3A_415 {offsets = [16, 0], sizes = [16, 256], strides = [1, 1]} : vector<128x256xf32> to vector<16x256xf32>
    %concatenate3A_493 = tpu.concatenate %slice3A_477, %slice3A_478, %slice3A_479, %slice3A_480, %slice3A_481, %slice3A_482, %slice3A_483, %slice3A_484, %slice3A_485, %slice3A_486, %slice3A_487, %slice3A_488, %slice3A_489, %slice3A_490, %slice3A_491, %slice3A_492 in 0 : vector<16x256xf32>, vector<16x256xf32>, vector<16x256xf32>, vector<16x256xf32>, vector<16x256xf32>, vector<16x256xf32>, vector<16x256xf32>, vector<16x256xf32>, vector<16x256xf32>, vector<16x256xf32>, vector<16x256xf32>, vector<16x256xf32>, vector<16x256xf32>, vector<16x256xf32>, vector<16x256xf32>, vector<16x256xf32> -> vector<256x256xf32>
    %slice3A_494 = vector.extract_strided_slice %dot_general3A_117 {offsets = [16, 0], sizes = [16, 1], strides = [1, 1]} : vector<128x1xf32> to vector<16x1xf32>
    %slice3A_495 = vector.extract_strided_slice %dot_general3A_137 {offsets = [16, 0], sizes = [16, 1], strides = [1, 1]} : vector<128x1xf32> to vector<16x1xf32>
    %slice3A_496 = vector.extract_strided_slice %dot_general3A_157 {offsets = [16, 0], sizes = [16, 1], strides = [1, 1]} : vector<128x1xf32> to vector<16x1xf32>
    %slice3A_497 = vector.extract_strided_slice %dot_general3A_177 {offsets = [16, 0], sizes = [16, 1], strides = [1, 1]} : vector<128x1xf32> to vector<16x1xf32>
    %slice3A_498 = vector.extract_strided_slice %dot_general3A_197 {offsets = [16, 0], sizes = [16, 1], strides = [1, 1]} : vector<128x1xf32> to vector<16x1xf32>
    %slice3A_499 = vector.extract_strided_slice %dot_general3A_217 {offsets = [16, 0], sizes = [16, 1], strides = [1, 1]} : vector<128x1xf32> to vector<16x1xf32>
    %slice3A_500 = vector.extract_strided_slice %dot_general3A_237 {offsets = [16, 0], sizes = [16, 1], strides = [1, 1]} : vector<128x1xf32> to vector<16x1xf32>
    %slice3A_501 = vector.extract_strided_slice %dot_general3A_257 {offsets = [16, 0], sizes = [16, 1], strides = [1, 1]} : vector<128x1xf32> to vector<16x1xf32>
    %slice3A_502 = vector.extract_strided_slice %dot_general3A_277 {offsets = [16, 0], sizes = [16, 1], strides = [1, 1]} : vector<128x1xf32> to vector<16x1xf32>
    %slice3A_503 = vector.extract_strided_slice %dot_general3A_297 {offsets = [16, 0], sizes = [16, 1], strides = [1, 1]} : vector<128x1xf32> to vector<16x1xf32>
    %slice3A_504 = vector.extract_strided_slice %dot_general3A_317 {offsets = [16, 0], sizes = [16, 1], strides = [1, 1]} : vector<128x1xf32> to vector<16x1xf32>
    %slice3A_505 = vector.extract_strided_slice %dot_general3A_337 {offsets = [16, 0], sizes = [16, 1], strides = [1, 1]} : vector<128x1xf32> to vector<16x1xf32>
    %slice3A_506 = vector.extract_strided_slice %dot_general3A_357 {offsets = [16, 0], sizes = [16, 1], strides = [1, 1]} : vector<128x1xf32> to vector<16x1xf32>
    %slice3A_507 = vector.extract_strided_slice %dot_general3A_377 {offsets = [16, 0], sizes = [16, 1], strides = [1, 1]} : vector<128x1xf32> to vector<16x1xf32>
    %slice3A_508 = vector.extract_strided_slice %dot_general3A_397 {offsets = [16, 0], sizes = [16, 1], strides = [1, 1]} : vector<128x1xf32> to vector<16x1xf32>
    %slice3A_509 = vector.extract_strided_slice %dot_general3A_417 {offsets = [16, 0], sizes = [16, 1], strides = [1, 1]} : vector<128x1xf32> to vector<16x1xf32>
    %concatenate3A_510 = tpu.concatenate %slice3A_494, %slice3A_495, %slice3A_496, %slice3A_497, %slice3A_498, %slice3A_499, %slice3A_500, %slice3A_501, %slice3A_502, %slice3A_503, %slice3A_504, %slice3A_505, %slice3A_506, %slice3A_507, %slice3A_508, %slice3A_509 in 0 : vector<16x1xf32>, vector<16x1xf32>, vector<16x1xf32>, vector<16x1xf32>, vector<16x1xf32>, vector<16x1xf32>, vector<16x1xf32>, vector<16x1xf32>, vector<16x1xf32>, vector<16x1xf32>, vector<16x1xf32>, vector<16x1xf32>, vector<16x1xf32>, vector<16x1xf32>, vector<16x1xf32>, vector<16x1xf32> -> vector<256x1xf32>
    %convert_element_type3A_511 = arith.truncf %concatenate3A_493 : vector<256x256xf32> to vector<256x256xbf16>
    %get3A_512 = arith.constant 1 : index
    %get3A_513 = arith.constant 0 : index
    %get3A_514 = arith.constant 0 : index
    %get3A_515 = vector.load %arg9[%get3A_512, %get3A_513, %get3A_514] : memref<8x256x256xbf16, #tpu.memory_space<vmem>>, vector<1x256x256xbf16>
    %get3A_516 = vector.shape_cast %get3A_515 : vector<1x256x256xbf16> to vector<256x256xbf16>
    %dot_general3A_517 = arith.constant dense<0.000000e+00> : vector<256x256xf32>
    %dot_general3A_518 = tpu.matmul %convert_element_type3A_511, %get3A_516, %dot_general3A_517 {dimension_numbers = #tpu.dot_dimension_numbers<[1], [0], [0], [1], [0, 0, 1, 1], [], []>, transpose_lhs_hint = false} : vector<256x256xbf16>, vector<256x256xbf16>, vector<256x256xf32> -> vector<256x256xf32>
    %add3A_519 = arith.addf %add3A_476, %dot_general3A_518 : vector<256x256xf32>
    %get3A_520 = arith.constant 1 : index
    %get3A_521 = arith.constant 0 : index
    %get3A_522 = vector.load %arg10[%get3A_520, %get3A_521] : memref<8x256xf32, #tpu.memory_space<vmem>>, vector<1x256xf32>
    %get3A_523 = vector.shape_cast %get3A_522 : vector<1x256xf32> to vector<256xf32>
    %get3A_524 = arith.constant 1 : index
    %get3A_525 = arith.constant 0 : index
    %get3A_526 = vector.load %arg6[%get3A_524, %get3A_525] : memref<8x256xf32, #tpu.memory_space<vmem>>, vector<1x256xf32>
    %get3A_527 = vector.shape_cast %get3A_526 : vector<1x256xf32> to vector<256xf32>
    %add3A_528 = arith.addf %get3A_523, %get3A_527 : vector<256xf32>
    %broadcast_in_dim3A_529 = vector.shape_cast %add3A_528 : vector<256xf32> to vector<1x256xf32>
    %mul3A_530 = vector.broadcast %concatenate3A_510 : vector<256x1xf32> to vector<256x256xf32>
    %mul3A_531 = vector.broadcast %broadcast_in_dim3A_529 : vector<1x256xf32> to vector<256x256xf32>
    %mul3A_532 = arith.mulf %mul3A_530, %mul3A_531 : vector<256x256xf32>
    %add3A_533 = arith.addf %add3A_519, %mul3A_532 : vector<256x256xf32>
    %slice3A_534 = vector.extract_strided_slice %dot_general3A_115 {offsets = [32, 0], sizes = [16, 256], strides = [1, 1]} : vector<128x256xf32> to vector<16x256xf32>
    %slice3A_535 = vector.extract_strided_slice %dot_general3A_135 {offsets = [32, 0], sizes = [16, 256], strides = [1, 1]} : vector<128x256xf32> to vector<16x256xf32>
    %slice3A_536 = vector.extract_strided_slice %dot_general3A_155 {offsets = [32, 0], sizes = [16, 256], strides = [1, 1]} : vector<128x256xf32> to vector<16x256xf32>
    %slice3A_537 = vector.extract_strided_slice %dot_general3A_175 {offsets = [32, 0], sizes = [16, 256], strides = [1, 1]} : vector<128x256xf32> to vector<16x256xf32>
    %slice3A_538 = vector.extract_strided_slice %dot_general3A_195 {offsets = [32, 0], sizes = [16, 256], strides = [1, 1]} : vector<128x256xf32> to vector<16x256xf32>
    %slice3A_539 = vector.extract_strided_slice %dot_general3A_215 {offsets = [32, 0], sizes = [16, 256], strides = [1, 1]} : vector<128x256xf32> to vector<16x256xf32>
    %slice3A_540 = vector.extract_strided_slice %dot_general3A_235 {offsets = [32, 0], sizes = [16, 256], strides = [1, 1]} : vector<128x256xf32> to vector<16x256xf32>
    %slice3A_541 = vector.extract_strided_slice %dot_general3A_255 {offsets = [32, 0], sizes = [16, 256], strides = [1, 1]} : vector<128x256xf32> to vector<16x256xf32>
    %slice3A_542 = vector.extract_strided_slice %dot_general3A_275 {offsets = [32, 0], sizes = [16, 256], strides = [1, 1]} : vector<128x256xf32> to vector<16x256xf32>
    %slice3A_543 = vector.extract_strided_slice %dot_general3A_295 {offsets = [32, 0], sizes = [16, 256], strides = [1, 1]} : vector<128x256xf32> to vector<16x256xf32>
    %slice3A_544 = vector.extract_strided_slice %dot_general3A_315 {offsets = [32, 0], sizes = [16, 256], strides = [1, 1]} : vector<128x256xf32> to vector<16x256xf32>
    %slice3A_545 = vector.extract_strided_slice %dot_general3A_335 {offsets = [32, 0], sizes = [16, 256], strides = [1, 1]} : vector<128x256xf32> to vector<16x256xf32>
    %slice3A_546 = vector.extract_strided_slice %dot_general3A_355 {offsets = [32, 0], sizes = [16, 256], strides = [1, 1]} : vector<128x256xf32> to vector<16x256xf32>
    %slice3A_547 = vector.extract_strided_slice %dot_general3A_375 {offsets = [32, 0], sizes = [16, 256], strides = [1, 1]} : vector<128x256xf32> to vector<16x256xf32>
    %slice3A_548 = vector.extract_strided_slice %dot_general3A_395 {offsets = [32, 0], sizes = [16, 256], strides = [1, 1]} : vector<128x256xf32> to vector<16x256xf32>
    %slice3A_549 = vector.extract_strided_slice %dot_general3A_415 {offsets = [32, 0], sizes = [16, 256], strides = [1, 1]} : vector<128x256xf32> to vector<16x256xf32>
    %concatenate3A_550 = tpu.concatenate %slice3A_534, %slice3A_535, %slice3A_536, %slice3A_537, %slice3A_538, %slice3A_539, %slice3A_540, %slice3A_541, %slice3A_542, %slice3A_543, %slice3A_544, %slice3A_545, %slice3A_546, %slice3A_547, %slice3A_548, %slice3A_549 in 0 : vector<16x256xf32>, vector<16x256xf32>, vector<16x256xf32>, vector<16x256xf32>, vector<16x256xf32>, vector<16x256xf32>, vector<16x256xf32>, vector<16x256xf32>, vector<16x256xf32>, vector<16x256xf32>, vector<16x256xf32>, vector<16x256xf32>, vector<16x256xf32>, vector<16x256xf32>, vector<16x256xf32>, vector<16x256xf32> -> vector<256x256xf32>
    %slice3A_551 = vector.extract_strided_slice %dot_general3A_117 {offsets = [32, 0], sizes = [16, 1], strides = [1, 1]} : vector<128x1xf32> to vector<16x1xf32>
    %slice3A_552 = vector.extract_strided_slice %dot_general3A_137 {offsets = [32, 0], sizes = [16, 1], strides = [1, 1]} : vector<128x1xf32> to vector<16x1xf32>
    %slice3A_553 = vector.extract_strided_slice %dot_general3A_157 {offsets = [32, 0], sizes = [16, 1], strides = [1, 1]} : vector<128x1xf32> to vector<16x1xf32>
    %slice3A_554 = vector.extract_strided_slice %dot_general3A_177 {offsets = [32, 0], sizes = [16, 1], strides = [1, 1]} : vector<128x1xf32> to vector<16x1xf32>
    %slice3A_555 = vector.extract_strided_slice %dot_general3A_197 {offsets = [32, 0], sizes = [16, 1], strides = [1, 1]} : vector<128x1xf32> to vector<16x1xf32>
    %slice3A_556 = vector.extract_strided_slice %dot_general3A_217 {offsets = [32, 0], sizes = [16, 1], strides = [1, 1]} : vector<128x1xf32> to vector<16x1xf32>
    %slice3A_557 = vector.extract_strided_slice %dot_general3A_237 {offsets = [32, 0], sizes = [16, 1], strides = [1, 1]} : vector<128x1xf32> to vector<16x1xf32>
    %slice3A_558 = vector.extract_strided_slice %dot_general3A_257 {offsets = [32, 0], sizes = [16, 1], strides = [1, 1]} : vector<128x1xf32> to vector<16x1xf32>
    %slice3A_559 = vector.extract_strided_slice %dot_general3A_277 {offsets = [32, 0], sizes = [16, 1], strides = [1, 1]} : vector<128x1xf32> to vector<16x1xf32>
    %slice3A_560 = vector.extract_strided_slice %dot_general3A_297 {offsets = [32, 0], sizes = [16, 1], strides = [1, 1]} : vector<128x1xf32> to vector<16x1xf32>
    %slice3A_561 = vector.extract_strided_slice %dot_general3A_317 {offsets = [32, 0], sizes = [16, 1], strides = [1, 1]} : vector<128x1xf32> to vector<16x1xf32>
    %slice3A_562 = vector.extract_strided_slice %dot_general3A_337 {offsets = [32, 0], sizes = [16, 1], strides = [1, 1]} : vector<128x1xf32> to vector<16x1xf32>
    %slice3A_563 = vector.extract_strided_slice %dot_general3A_357 {offsets = [32, 0], sizes = [16, 1], strides = [1, 1]} : vector<128x1xf32> to vector<16x1xf32>
    %slice3A_564 = vector.extract_strided_slice %dot_general3A_377 {offsets = [32, 0], sizes = [16, 1], strides = [1, 1]} : vector<128x1xf32> to vector<16x1xf32>
    %slice3A_565 = vector.extract_strided_slice %dot_general3A_397 {offsets = [32, 0], sizes = [16, 1], strides = [1, 1]} : vector<128x1xf32> to vector<16x1xf32>
    %slice3A_566 = vector.extract_strided_slice %dot_general3A_417 {offsets = [32, 0], sizes = [16, 1], strides = [1, 1]} : vector<128x1xf32> to vector<16x1xf32>
    %concatenate3A_567 = tpu.concatenate %slice3A_551, %slice3A_552, %slice3A_553, %slice3A_554, %slice3A_555, %slice3A_556, %slice3A_557, %slice3A_558, %slice3A_559, %slice3A_560, %slice3A_561, %slice3A_562, %slice3A_563, %slice3A_564, %slice3A_565, %slice3A_566 in 0 : vector<16x1xf32>, vector<16x1xf32>, vector<16x1xf32>, vector<16x1xf32>, vector<16x1xf32>, vector<16x1xf32>, vector<16x1xf32>, vector<16x1xf32>, vector<16x1xf32>, vector<16x1xf32>, vector<16x1xf32>, vector<16x1xf32>, vector<16x1xf32>, vector<16x1xf32>, vector<16x1xf32>, vector<16x1xf32> -> vector<256x1xf32>
    %convert_element_type3A_568 = arith.truncf %concatenate3A_550 : vector<256x256xf32> to vector<256x256xbf16>
    %get3A_569 = arith.constant 2 : index
    %get3A_570 = arith.constant 0 : index
    %get3A_571 = arith.constant 0 : index
    %get3A_572 = vector.load %arg9[%get3A_569, %get3A_570, %get3A_571] : memref<8x256x256xbf16, #tpu.memory_space<vmem>>, vector<1x256x256xbf16>
    %get3A_573 = vector.shape_cast %get3A_572 : vector<1x256x256xbf16> to vector<256x256xbf16>
    %dot_general3A_574 = arith.constant dense<0.000000e+00> : vector<256x256xf32>
    %dot_general3A_575 = tpu.matmul %convert_element_type3A_568, %get3A_573, %dot_general3A_574 {dimension_numbers = #tpu.dot_dimension_numbers<[1], [0], [0], [1], [0, 0, 1, 1], [], []>, transpose_lhs_hint = false} : vector<256x256xbf16>, vector<256x256xbf16>, vector<256x256xf32> -> vector<256x256xf32>
    %add3A_576 = arith.addf %add3A_533, %dot_general3A_575 : vector<256x256xf32>
    %get3A_577 = arith.constant 2 : index
    %get3A_578 = arith.constant 0 : index
    %get3A_579 = vector.load %arg10[%get3A_577, %get3A_578] : memref<8x256xf32, #tpu.memory_space<vmem>>, vector<1x256xf32>
    %get3A_580 = vector.shape_cast %get3A_579 : vector<1x256xf32> to vector<256xf32>
    %get3A_581 = arith.constant 2 : index
    %get3A_582 = arith.constant 0 : index
    %get3A_583 = vector.load %arg6[%get3A_581, %get3A_582] : memref<8x256xf32, #tpu.memory_space<vmem>>, vector<1x256xf32>
    %get3A_584 = vector.shape_cast %get3A_583 : vector<1x256xf32> to vector<256xf32>
    %add3A_585 = arith.addf %get3A_580, %get3A_584 : vector<256xf32>
    %broadcast_in_dim3A_586 = vector.shape_cast %add3A_585 : vector<256xf32> to vector<1x256xf32>
    %mul3A_587 = vector.broadcast %concatenate3A_567 : vector<256x1xf32> to vector<256x256xf32>
    %mul3A_588 = vector.broadcast %broadcast_in_dim3A_586 : vector<1x256xf32> to vector<256x256xf32>
    %mul3A_589 = arith.mulf %mul3A_587, %mul3A_588 : vector<256x256xf32>
    %add3A_590 = arith.addf %add3A_576, %mul3A_589 : vector<256x256xf32>
    %slice3A_591 = vector.extract_strided_slice %dot_general3A_115 {offsets = [48, 0], sizes = [16, 256], strides = [1, 1]} : vector<128x256xf32> to vector<16x256xf32>
    %slice3A_592 = vector.extract_strided_slice %dot_general3A_135 {offsets = [48, 0], sizes = [16, 256], strides = [1, 1]} : vector<128x256xf32> to vector<16x256xf32>
    %slice3A_593 = vector.extract_strided_slice %dot_general3A_155 {offsets = [48, 0], sizes = [16, 256], strides = [1, 1]} : vector<128x256xf32> to vector<16x256xf32>
    %slice3A_594 = vector.extract_strided_slice %dot_general3A_175 {offsets = [48, 0], sizes = [16, 256], strides = [1, 1]} : vector<128x256xf32> to vector<16x256xf32>
    %slice3A_595 = vector.extract_strided_slice %dot_general3A_195 {offsets = [48, 0], sizes = [16, 256], strides = [1, 1]} : vector<128x256xf32> to vector<16x256xf32>
    %slice3A_596 = vector.extract_strided_slice %dot_general3A_215 {offsets = [48, 0], sizes = [16, 256], strides = [1, 1]} : vector<128x256xf32> to vector<16x256xf32>
    %slice3A_597 = vector.extract_strided_slice %dot_general3A_235 {offsets = [48, 0], sizes = [16, 256], strides = [1, 1]} : vector<128x256xf32> to vector<16x256xf32>
    %slice3A_598 = vector.extract_strided_slice %dot_general3A_255 {offsets = [48, 0], sizes = [16, 256], strides = [1, 1]} : vector<128x256xf32> to vector<16x256xf32>
    %slice3A_599 = vector.extract_strided_slice %dot_general3A_275 {offsets = [48, 0], sizes = [16, 256], strides = [1, 1]} : vector<128x256xf32> to vector<16x256xf32>
    %slice3A_600 = vector.extract_strided_slice %dot_general3A_295 {offsets = [48, 0], sizes = [16, 256], strides = [1, 1]} : vector<128x256xf32> to vector<16x256xf32>
    %slice3A_601 = vector.extract_strided_slice %dot_general3A_315 {offsets = [48, 0], sizes = [16, 256], strides = [1, 1]} : vector<128x256xf32> to vector<16x256xf32>
    %slice3A_602 = vector.extract_strided_slice %dot_general3A_335 {offsets = [48, 0], sizes = [16, 256], strides = [1, 1]} : vector<128x256xf32> to vector<16x256xf32>
    %slice3A_603 = vector.extract_strided_slice %dot_general3A_355 {offsets = [48, 0], sizes = [16, 256], strides = [1, 1]} : vector<128x256xf32> to vector<16x256xf32>
    %slice3A_604 = vector.extract_strided_slice %dot_general3A_375 {offsets = [48, 0], sizes = [16, 256], strides = [1, 1]} : vector<128x256xf32> to vector<16x256xf32>
    %slice3A_605 = vector.extract_strided_slice %dot_general3A_395 {offsets = [48, 0], sizes = [16, 256], strides = [1, 1]} : vector<128x256xf32> to vector<16x256xf32>
    %slice3A_606 = vector.extract_strided_slice %dot_general3A_415 {offsets = [48, 0], sizes = [16, 256], strides = [1, 1]} : vector<128x256xf32> to vector<16x256xf32>
    %concatenate3A_607 = tpu.concatenate %slice3A_591, %slice3A_592, %slice3A_593, %slice3A_594, %slice3A_595, %slice3A_596, %slice3A_597, %slice3A_598, %slice3A_599, %slice3A_600, %slice3A_601, %slice3A_602, %slice3A_603, %slice3A_604, %slice3A_605, %slice3A_606 in 0 : vector<16x256xf32>, vector<16x256xf32>, vector<16x256xf32>, vector<16x256xf32>, vector<16x256xf32>, vector<16x256xf32>, vector<16x256xf32>, vector<16x256xf32>, vector<16x256xf32>, vector<16x256xf32>, vector<16x256xf32>, vector<16x256xf32>, vector<16x256xf32>, vector<16x256xf32>, vector<16x256xf32>, vector<16x256xf32> -> vector<256x256xf32>
    %slice3A_608 = vector.extract_strided_slice %dot_general3A_117 {offsets = [48, 0], sizes = [16, 1], strides = [1, 1]} : vector<128x1xf32> to vector<16x1xf32>
    %slice3A_609 = vector.extract_strided_slice %dot_general3A_137 {offsets = [48, 0], sizes = [16, 1], strides = [1, 1]} : vector<128x1xf32> to vector<16x1xf32>
    %slice3A_610 = vector.extract_strided_slice %dot_general3A_157 {offsets = [48, 0], sizes = [16, 1], strides = [1, 1]} : vector<128x1xf32> to vector<16x1xf32>
    %slice3A_611 = vector.extract_strided_slice %dot_general3A_177 {offsets = [48, 0], sizes = [16, 1], strides = [1, 1]} : vector<128x1xf32> to vector<16x1xf32>
    %slice3A_612 = vector.extract_strided_slice %dot_general3A_197 {offsets = [48, 0], sizes = [16, 1], strides = [1, 1]} : vector<128x1xf32> to vector<16x1xf32>
    %slice3A_613 = vector.extract_strided_slice %dot_general3A_217 {offsets = [48, 0], sizes = [16, 1], strides = [1, 1]} : vector<128x1xf32> to vector<16x1xf32>
    %slice3A_614 = vector.extract_strided_slice %dot_general3A_237 {offsets = [48, 0], sizes = [16, 1], strides = [1, 1]} : vector<128x1xf32> to vector<16x1xf32>
    %slice3A_615 = vector.extract_strided_slice %dot_general3A_257 {offsets = [48, 0], sizes = [16, 1], strides = [1, 1]} : vector<128x1xf32> to vector<16x1xf32>
    %slice3A_616 = vector.extract_strided_slice %dot_general3A_277 {offsets = [48, 0], sizes = [16, 1], strides = [1, 1]} : vector<128x1xf32> to vector<16x1xf32>
    %slice3A_617 = vector.extract_strided_slice %dot_general3A_297 {offsets = [48, 0], sizes = [16, 1], strides = [1, 1]} : vector<128x1xf32> to vector<16x1xf32>
    %slice3A_618 = vector.extract_strided_slice %dot_general3A_317 {offsets = [48, 0], sizes = [16, 1], strides = [1, 1]} : vector<128x1xf32> to vector<16x1xf32>
    %slice3A_619 = vector.extract_strided_slice %dot_general3A_337 {offsets = [48, 0], sizes = [16, 1], strides = [1, 1]} : vector<128x1xf32> to vector<16x1xf32>
    %slice3A_620 = vector.extract_strided_slice %dot_general3A_357 {offsets = [48, 0], sizes = [16, 1], strides = [1, 1]} : vector<128x1xf32> to vector<16x1xf32>
    %slice3A_621 = vector.extract_strided_slice %dot_general3A_377 {offsets = [48, 0], sizes = [16, 1], strides = [1, 1]} : vector<128x1xf32> to vector<16x1xf32>
    %slice3A_622 = vector.extract_strided_slice %dot_general3A_397 {offsets = [48, 0], sizes = [16, 1], strides = [1, 1]} : vector<128x1xf32> to vector<16x1xf32>
    %slice3A_623 = vector.extract_strided_slice %dot_general3A_417 {offsets = [48, 0], sizes = [16, 1], strides = [1, 1]} : vector<128x1xf32> to vector<16x1xf32>
    %concatenate3A_624 = tpu.concatenate %slice3A_608, %slice3A_609, %slice3A_610, %slice3A_611, %slice3A_612, %slice3A_613, %slice3A_614, %slice3A_615, %slice3A_616, %slice3A_617, %slice3A_618, %slice3A_619, %slice3A_620, %slice3A_621, %slice3A_622, %slice3A_623 in 0 : vector<16x1xf32>, vector<16x1xf32>, vector<16x1xf32>, vector<16x1xf32>, vector<16x1xf32>, vector<16x1xf32>, vector<16x1xf32>, vector<16x1xf32>, vector<16x1xf32>, vector<16x1xf32>, vector<16x1xf32>, vector<16x1xf32>, vector<16x1xf32>, vector<16x1xf32>, vector<16x1xf32>, vector<16x1xf32> -> vector<256x1xf32>
    %convert_element_type3A_625 = arith.truncf %concatenate3A_607 : vector<256x256xf32> to vector<256x256xbf16>
    %get3A_626 = arith.constant 3 : index
    %get3A_627 = arith.constant 0 : index
    %get3A_628 = arith.constant 0 : index
    %get3A_629 = vector.load %arg9[%get3A_626, %get3A_627, %get3A_628] : memref<8x256x256xbf16, #tpu.memory_space<vmem>>, vector<1x256x256xbf16>
    %get3A_630 = vector.shape_cast %get3A_629 : vector<1x256x256xbf16> to vector<256x256xbf16>
    %dot_general3A_631 = arith.constant dense<0.000000e+00> : vector<256x256xf32>
    %dot_general3A_632 = tpu.matmul %convert_element_type3A_625, %get3A_630, %dot_general3A_631 {dimension_numbers = #tpu.dot_dimension_numbers<[1], [0], [0], [1], [0, 0, 1, 1], [], []>, transpose_lhs_hint = false} : vector<256x256xbf16>, vector<256x256xbf16>, vector<256x256xf32> -> vector<256x256xf32>
    %add3A_633 = arith.addf %add3A_590, %dot_general3A_632 : vector<256x256xf32>
    %get3A_634 = arith.constant 3 : index
    %get3A_635 = arith.constant 0 : index
    %get3A_636 = vector.load %arg10[%get3A_634, %get3A_635] : memref<8x256xf32, #tpu.memory_space<vmem>>, vector<1x256xf32>
    %get3A_637 = vector.shape_cast %get3A_636 : vector<1x256xf32> to vector<256xf32>
    %get3A_638 = arith.constant 3 : index
    %get3A_639 = arith.constant 0 : index
    %get3A_640 = vector.load %arg6[%get3A_638, %get3A_639] : memref<8x256xf32, #tpu.memory_space<vmem>>, vector<1x256xf32>
    %get3A_641 = vector.shape_cast %get3A_640 : vector<1x256xf32> to vector<256xf32>
    %add3A_642 = arith.addf %get3A_637, %get3A_641 : vector<256xf32>
    %broadcast_in_dim3A_643 = vector.shape_cast %add3A_642 : vector<256xf32> to vector<1x256xf32>
    %mul3A_644 = vector.broadcast %concatenate3A_624 : vector<256x1xf32> to vector<256x256xf32>
    %mul3A_645 = vector.broadcast %broadcast_in_dim3A_643 : vector<1x256xf32> to vector<256x256xf32>
    %mul3A_646 = arith.mulf %mul3A_644, %mul3A_645 : vector<256x256xf32>
    %add3A_647 = arith.addf %add3A_633, %mul3A_646 : vector<256x256xf32>
    %slice3A_648 = vector.extract_strided_slice %dot_general3A_115 {offsets = [64, 0], sizes = [16, 256], strides = [1, 1]} : vector<128x256xf32> to vector<16x256xf32>
    %slice3A_649 = vector.extract_strided_slice %dot_general3A_135 {offsets = [64, 0], sizes = [16, 256], strides = [1, 1]} : vector<128x256xf32> to vector<16x256xf32>
    %slice3A_650 = vector.extract_strided_slice %dot_general3A_155 {offsets = [64, 0], sizes = [16, 256], strides = [1, 1]} : vector<128x256xf32> to vector<16x256xf32>
    %slice3A_651 = vector.extract_strided_slice %dot_general3A_175 {offsets = [64, 0], sizes = [16, 256], strides = [1, 1]} : vector<128x256xf32> to vector<16x256xf32>
    %slice3A_652 = vector.extract_strided_slice %dot_general3A_195 {offsets = [64, 0], sizes = [16, 256], strides = [1, 1]} : vector<128x256xf32> to vector<16x256xf32>
    %slice3A_653 = vector.extract_strided_slice %dot_general3A_215 {offsets = [64, 0], sizes = [16, 256], strides = [1, 1]} : vector<128x256xf32> to vector<16x256xf32>
    %slice3A_654 = vector.extract_strided_slice %dot_general3A_235 {offsets = [64, 0], sizes = [16, 256], strides = [1, 1]} : vector<128x256xf32> to vector<16x256xf32>
    %slice3A_655 = vector.extract_strided_slice %dot_general3A_255 {offsets = [64, 0], sizes = [16, 256], strides = [1, 1]} : vector<128x256xf32> to vector<16x256xf32>
    %slice3A_656 = vector.extract_strided_slice %dot_general3A_275 {offsets = [64, 0], sizes = [16, 256], strides = [1, 1]} : vector<128x256xf32> to vector<16x256xf32>
    %slice3A_657 = vector.extract_strided_slice %dot_general3A_295 {offsets = [64, 0], sizes = [16, 256], strides = [1, 1]} : vector<128x256xf32> to vector<16x256xf32>
    %slice3A_658 = vector.extract_strided_slice %dot_general3A_315 {offsets = [64, 0], sizes = [16, 256], strides = [1, 1]} : vector<128x256xf32> to vector<16x256xf32>
    %slice3A_659 = vector.extract_strided_slice %dot_general3A_335 {offsets = [64, 0], sizes = [16, 256], strides = [1, 1]} : vector<128x256xf32> to vector<16x256xf32>
    %slice3A_660 = vector.extract_strided_slice %dot_general3A_355 {offsets = [64, 0], sizes = [16, 256], strides = [1, 1]} : vector<128x256xf32> to vector<16x256xf32>
    %slice3A_661 = vector.extract_strided_slice %dot_general3A_375 {offsets = [64, 0], sizes = [16, 256], strides = [1, 1]} : vector<128x256xf32> to vector<16x256xf32>
    %slice3A_662 = vector.extract_strided_slice %dot_general3A_395 {offsets = [64, 0], sizes = [16, 256], strides = [1, 1]} : vector<128x256xf32> to vector<16x256xf32>
    %slice3A_663 = vector.extract_strided_slice %dot_general3A_415 {offsets = [64, 0], sizes = [16, 256], strides = [1, 1]} : vector<128x256xf32> to vector<16x256xf32>
    %concatenate3A_664 = tpu.concatenate %slice3A_648, %slice3A_649, %slice3A_650, %slice3A_651, %slice3A_652, %slice3A_653, %slice3A_654, %slice3A_655, %slice3A_656, %slice3A_657, %slice3A_658, %slice3A_659, %slice3A_660, %slice3A_661, %slice3A_662, %slice3A_663 in 0 : vector<16x256xf32>, vector<16x256xf32>, vector<16x256xf32>, vector<16x256xf32>, vector<16x256xf32>, vector<16x256xf32>, vector<16x256xf32>, vector<16x256xf32>, vector<16x256xf32>, vector<16x256xf32>, vector<16x256xf32>, vector<16x256xf32>, vector<16x256xf32>, vector<16x256xf32>, vector<16x256xf32>, vector<16x256xf32> -> vector<256x256xf32>
    %slice3A_665 = vector.extract_strided_slice %dot_general3A_117 {offsets = [64, 0], sizes = [16, 1], strides = [1, 1]} : vector<128x1xf32> to vector<16x1xf32>
    %slice3A_666 = vector.extract_strided_slice %dot_general3A_137 {offsets = [64, 0], sizes = [16, 1], strides = [1, 1]} : vector<128x1xf32> to vector<16x1xf32>
    %slice3A_667 = vector.extract_strided_slice %dot_general3A_157 {offsets = [64, 0], sizes = [16, 1], strides = [1, 1]} : vector<128x1xf32> to vector<16x1xf32>
    %slice3A_668 = vector.extract_strided_slice %dot_general3A_177 {offsets = [64, 0], sizes = [16, 1], strides = [1, 1]} : vector<128x1xf32> to vector<16x1xf32>
    %slice3A_669 = vector.extract_strided_slice %dot_general3A_197 {offsets = [64, 0], sizes = [16, 1], strides = [1, 1]} : vector<128x1xf32> to vector<16x1xf32>
    %slice3A_670 = vector.extract_strided_slice %dot_general3A_217 {offsets = [64, 0], sizes = [16, 1], strides = [1, 1]} : vector<128x1xf32> to vector<16x1xf32>
    %slice3A_671 = vector.extract_strided_slice %dot_general3A_237 {offsets = [64, 0], sizes = [16, 1], strides = [1, 1]} : vector<128x1xf32> to vector<16x1xf32>
    %slice3A_672 = vector.extract_strided_slice %dot_general3A_257 {offsets = [64, 0], sizes = [16, 1], strides = [1, 1]} : vector<128x1xf32> to vector<16x1xf32>
    %slice3A_673 = vector.extract_strided_slice %dot_general3A_277 {offsets = [64, 0], sizes = [16, 1], strides = [1, 1]} : vector<128x1xf32> to vector<16x1xf32>
    %slice3A_674 = vector.extract_strided_slice %dot_general3A_297 {offsets = [64, 0], sizes = [16, 1], strides = [1, 1]} : vector<128x1xf32> to vector<16x1xf32>
    %slice3A_675 = vector.extract_strided_slice %dot_general3A_317 {offsets = [64, 0], sizes = [16, 1], strides = [1, 1]} : vector<128x1xf32> to vector<16x1xf32>
    %slice3A_676 = vector.extract_strided_slice %dot_general3A_337 {offsets = [64, 0], sizes = [16, 1], strides = [1, 1]} : vector<128x1xf32> to vector<16x1xf32>
    %slice3A_677 = vector.extract_strided_slice %dot_general3A_357 {offsets = [64, 0], sizes = [16, 1], strides = [1, 1]} : vector<128x1xf32> to vector<16x1xf32>
    %slice3A_678 = vector.extract_strided_slice %dot_general3A_377 {offsets = [64, 0], sizes = [16, 1], strides = [1, 1]} : vector<128x1xf32> to vector<16x1xf32>
    %slice3A_679 = vector.extract_strided_slice %dot_general3A_397 {offsets = [64, 0], sizes = [16, 1], strides = [1, 1]} : vector<128x1xf32> to vector<16x1xf32>
    %slice3A_680 = vector.extract_strided_slice %dot_general3A_417 {offsets = [64, 0], sizes = [16, 1], strides = [1, 1]} : vector<128x1xf32> to vector<16x1xf32>
    %concatenate3A_681 = tpu.concatenate %slice3A_665, %slice3A_666, %slice3A_667, %slice3A_668, %slice3A_669, %slice3A_670, %slice3A_671, %slice3A_672, %slice3A_673, %slice3A_674, %slice3A_675, %slice3A_676, %slice3A_677, %slice3A_678, %slice3A_679, %slice3A_680 in 0 : vector<16x1xf32>, vector<16x1xf32>, vector<16x1xf32>, vector<16x1xf32>, vector<16x1xf32>, vector<16x1xf32>, vector<16x1xf32>, vector<16x1xf32>, vector<16x1xf32>, vector<16x1xf32>, vector<16x1xf32>, vector<16x1xf32>, vector<16x1xf32>, vector<16x1xf32>, vector<16x1xf32>, vector<16x1xf32> -> vector<256x1xf32>
    %convert_element_type3A_682 = arith.truncf %concatenate3A_664 : vector<256x256xf32> to vector<256x256xbf16>
    %get3A_683 = arith.constant 4 : index
    %get3A_684 = arith.constant 0 : index
    %get3A_685 = arith.constant 0 : index
    %get3A_686 = vector.load %arg9[%get3A_683, %get3A_684, %get3A_685] : memref<8x256x256xbf16, #tpu.memory_space<vmem>>, vector<1x256x256xbf16>
    %get3A_687 = vector.shape_cast %get3A_686 : vector<1x256x256xbf16> to vector<256x256xbf16>
    %dot_general3A_688 = arith.constant dense<0.000000e+00> : vector<256x256xf32>
    %dot_general3A_689 = tpu.matmul %convert_element_type3A_682, %get3A_687, %dot_general3A_688 {dimension_numbers = #tpu.dot_dimension_numbers<[1], [0], [0], [1], [0, 0, 1, 1], [], []>, transpose_lhs_hint = false} : vector<256x256xbf16>, vector<256x256xbf16>, vector<256x256xf32> -> vector<256x256xf32>
    %add3A_690 = arith.addf %add3A_647, %dot_general3A_689 : vector<256x256xf32>
    %get3A_691 = arith.constant 4 : index
    %get3A_692 = arith.constant 0 : index
    %get3A_693 = vector.load %arg10[%get3A_691, %get3A_692] : memref<8x256xf32, #tpu.memory_space<vmem>>, vector<1x256xf32>
    %get3A_694 = vector.shape_cast %get3A_693 : vector<1x256xf32> to vector<256xf32>
    %get3A_695 = arith.constant 4 : index
    %get3A_696 = arith.constant 0 : index
    %get3A_697 = vector.load %arg6[%get3A_695, %get3A_696] : memref<8x256xf32, #tpu.memory_space<vmem>>, vector<1x256xf32>
    %get3A_698 = vector.shape_cast %get3A_697 : vector<1x256xf32> to vector<256xf32>
    %add3A_699 = arith.addf %get3A_694, %get3A_698 : vector<256xf32>
    %broadcast_in_dim3A_700 = vector.shape_cast %add3A_699 : vector<256xf32> to vector<1x256xf32>
    %mul3A_701 = vector.broadcast %concatenate3A_681 : vector<256x1xf32> to vector<256x256xf32>
    %mul3A_702 = vector.broadcast %broadcast_in_dim3A_700 : vector<1x256xf32> to vector<256x256xf32>
    %mul3A_703 = arith.mulf %mul3A_701, %mul3A_702 : vector<256x256xf32>
    %add3A_704 = arith.addf %add3A_690, %mul3A_703 : vector<256x256xf32>
    %slice3A_705 = vector.extract_strided_slice %dot_general3A_115 {offsets = [80, 0], sizes = [16, 256], strides = [1, 1]} : vector<128x256xf32> to vector<16x256xf32>
    %slice3A_706 = vector.extract_strided_slice %dot_general3A_135 {offsets = [80, 0], sizes = [16, 256], strides = [1, 1]} : vector<128x256xf32> to vector<16x256xf32>
    %slice3A_707 = vector.extract_strided_slice %dot_general3A_155 {offsets = [80, 0], sizes = [16, 256], strides = [1, 1]} : vector<128x256xf32> to vector<16x256xf32>
    %slice3A_708 = vector.extract_strided_slice %dot_general3A_175 {offsets = [80, 0], sizes = [16, 256], strides = [1, 1]} : vector<128x256xf32> to vector<16x256xf32>
    %slice3A_709 = vector.extract_strided_slice %dot_general3A_195 {offsets = [80, 0], sizes = [16, 256], strides = [1, 1]} : vector<128x256xf32> to vector<16x256xf32>
    %slice3A_710 = vector.extract_strided_slice %dot_general3A_215 {offsets = [80, 0], sizes = [16, 256], strides = [1, 1]} : vector<128x256xf32> to vector<16x256xf32>
    %slice3A_711 = vector.extract_strided_slice %dot_general3A_235 {offsets = [80, 0], sizes = [16, 256], strides = [1, 1]} : vector<128x256xf32> to vector<16x256xf32>
    %slice3A_712 = vector.extract_strided_slice %dot_general3A_255 {offsets = [80, 0], sizes = [16, 256], strides = [1, 1]} : vector<128x256xf32> to vector<16x256xf32>
    %slice3A_713 = vector.extract_strided_slice %dot_general3A_275 {offsets = [80, 0], sizes = [16, 256], strides = [1, 1]} : vector<128x256xf32> to vector<16x256xf32>
    %slice3A_714 = vector.extract_strided_slice %dot_general3A_295 {offsets = [80, 0], sizes = [16, 256], strides = [1, 1]} : vector<128x256xf32> to vector<16x256xf32>
    %slice3A_715 = vector.extract_strided_slice %dot_general3A_315 {offsets = [80, 0], sizes = [16, 256], strides = [1, 1]} : vector<128x256xf32> to vector<16x256xf32>
    %slice3A_716 = vector.extract_strided_slice %dot_general3A_335 {offsets = [80, 0], sizes = [16, 256], strides = [1, 1]} : vector<128x256xf32> to vector<16x256xf32>
    %slice3A_717 = vector.extract_strided_slice %dot_general3A_355 {offsets = [80, 0], sizes = [16, 256], strides = [1, 1]} : vector<128x256xf32> to vector<16x256xf32>
    %slice3A_718 = vector.extract_strided_slice %dot_general3A_375 {offsets = [80, 0], sizes = [16, 256], strides = [1, 1]} : vector<128x256xf32> to vector<16x256xf32>
    %slice3A_719 = vector.extract_strided_slice %dot_general3A_395 {offsets = [80, 0], sizes = [16, 256], strides = [1, 1]} : vector<128x256xf32> to vector<16x256xf32>
    %slice3A_720 = vector.extract_strided_slice %dot_general3A_415 {offsets = [80, 0], sizes = [16, 256], strides = [1, 1]} : vector<128x256xf32> to vector<16x256xf32>
    %concatenate3A_721 = tpu.concatenate %slice3A_705, %slice3A_706, %slice3A_707, %slice3A_708, %slice3A_709, %slice3A_710, %slice3A_711, %slice3A_712, %slice3A_713, %slice3A_714, %slice3A_715, %slice3A_716, %slice3A_717, %slice3A_718, %slice3A_719, %slice3A_720 in 0 : vector<16x256xf32>, vector<16x256xf32>, vector<16x256xf32>, vector<16x256xf32>, vector<16x256xf32>, vector<16x256xf32>, vector<16x256xf32>, vector<16x256xf32>, vector<16x256xf32>, vector<16x256xf32>, vector<16x256xf32>, vector<16x256xf32>, vector<16x256xf32>, vector<16x256xf32>, vector<16x256xf32>, vector<16x256xf32> -> vector<256x256xf32>
    %slice3A_722 = vector.extract_strided_slice %dot_general3A_117 {offsets = [80, 0], sizes = [16, 1], strides = [1, 1]} : vector<128x1xf32> to vector<16x1xf32>
    %slice3A_723 = vector.extract_strided_slice %dot_general3A_137 {offsets = [80, 0], sizes = [16, 1], strides = [1, 1]} : vector<128x1xf32> to vector<16x1xf32>
    %slice3A_724 = vector.extract_strided_slice %dot_general3A_157 {offsets = [80, 0], sizes = [16, 1], strides = [1, 1]} : vector<128x1xf32> to vector<16x1xf32>
    %slice3A_725 = vector.extract_strided_slice %dot_general3A_177 {offsets = [80, 0], sizes = [16, 1], strides = [1, 1]} : vector<128x1xf32> to vector<16x1xf32>
    %slice3A_726 = vector.extract_strided_slice %dot_general3A_197 {offsets = [80, 0], sizes = [16, 1], strides = [1, 1]} : vector<128x1xf32> to vector<16x1xf32>
    %slice3A_727 = vector.extract_strided_slice %dot_general3A_217 {offsets = [80, 0], sizes = [16, 1], strides = [1, 1]} : vector<128x1xf32> to vector<16x1xf32>
    %slice3A_728 = vector.extract_strided_slice %dot_general3A_237 {offsets = [80, 0], sizes = [16, 1], strides = [1, 1]} : vector<128x1xf32> to vector<16x1xf32>
    %slice3A_729 = vector.extract_strided_slice %dot_general3A_257 {offsets = [80, 0], sizes = [16, 1], strides = [1, 1]} : vector<128x1xf32> to vector<16x1xf32>
    %slice3A_730 = vector.extract_strided_slice %dot_general3A_277 {offsets = [80, 0], sizes = [16, 1], strides = [1, 1]} : vector<128x1xf32> to vector<16x1xf32>
    %slice3A_731 = vector.extract_strided_slice %dot_general3A_297 {offsets = [80, 0], sizes = [16, 1], strides = [1, 1]} : vector<128x1xf32> to vector<16x1xf32>
    %slice3A_732 = vector.extract_strided_slice %dot_general3A_317 {offsets = [80, 0], sizes = [16, 1], strides = [1, 1]} : vector<128x1xf32> to vector<16x1xf32>
    %slice3A_733 = vector.extract_strided_slice %dot_general3A_337 {offsets = [80, 0], sizes = [16, 1], strides = [1, 1]} : vector<128x1xf32> to vector<16x1xf32>
    %slice3A_734 = vector.extract_strided_slice %dot_general3A_357 {offsets = [80, 0], sizes = [16, 1], strides = [1, 1]} : vector<128x1xf32> to vector<16x1xf32>
    %slice3A_735 = vector.extract_strided_slice %dot_general3A_377 {offsets = [80, 0], sizes = [16, 1], strides = [1, 1]} : vector<128x1xf32> to vector<16x1xf32>
    %slice3A_736 = vector.extract_strided_slice %dot_general3A_397 {offsets = [80, 0], sizes = [16, 1], strides = [1, 1]} : vector<128x1xf32> to vector<16x1xf32>
    %slice3A_737 = vector.extract_strided_slice %dot_general3A_417 {offsets = [80, 0], sizes = [16, 1], strides = [1, 1]} : vector<128x1xf32> to vector<16x1xf32>
    %concatenate3A_738 = tpu.concatenate %slice3A_722, %slice3A_723, %slice3A_724, %slice3A_725, %slice3A_726, %slice3A_727, %slice3A_728, %slice3A_729, %slice3A_730, %slice3A_731, %slice3A_732, %slice3A_733, %slice3A_734, %slice3A_735, %slice3A_736, %slice3A_737 in 0 : vector<16x1xf32>, vector<16x1xf32>, vector<16x1xf32>, vector<16x1xf32>, vector<16x1xf32>, vector<16x1xf32>, vector<16x1xf32>, vector<16x1xf32>, vector<16x1xf32>, vector<16x1xf32>, vector<16x1xf32>, vector<16x1xf32>, vector<16x1xf32>, vector<16x1xf32>, vector<16x1xf32>, vector<16x1xf32> -> vector<256x1xf32>
    %convert_element_type3A_739 = arith.truncf %concatenate3A_721 : vector<256x256xf32> to vector<256x256xbf16>
    %get3A_740 = arith.constant 5 : index
    %get3A_741 = arith.constant 0 : index
    %get3A_742 = arith.constant 0 : index
    %get3A_743 = vector.load %arg9[%get3A_740, %get3A_741, %get3A_742] : memref<8x256x256xbf16, #tpu.memory_space<vmem>>, vector<1x256x256xbf16>
    %get3A_744 = vector.shape_cast %get3A_743 : vector<1x256x256xbf16> to vector<256x256xbf16>
    %dot_general3A_745 = arith.constant dense<0.000000e+00> : vector<256x256xf32>
    %dot_general3A_746 = tpu.matmul %convert_element_type3A_739, %get3A_744, %dot_general3A_745 {dimension_numbers = #tpu.dot_dimension_numbers<[1], [0], [0], [1], [0, 0, 1, 1], [], []>, transpose_lhs_hint = false} : vector<256x256xbf16>, vector<256x256xbf16>, vector<256x256xf32> -> vector<256x256xf32>
    %add3A_747 = arith.addf %add3A_704, %dot_general3A_746 : vector<256x256xf32>
    %get3A_748 = arith.constant 5 : index
    %get3A_749 = arith.constant 0 : index
    %get3A_750 = vector.load %arg10[%get3A_748, %get3A_749] : memref<8x256xf32, #tpu.memory_space<vmem>>, vector<1x256xf32>
    %get3A_751 = vector.shape_cast %get3A_750 : vector<1x256xf32> to vector<256xf32>
    %get3A_752 = arith.constant 5 : index
    %get3A_753 = arith.constant 0 : index
    %get3A_754 = vector.load %arg6[%get3A_752, %get3A_753] : memref<8x256xf32, #tpu.memory_space<vmem>>, vector<1x256xf32>
    %get3A_755 = vector.shape_cast %get3A_754 : vector<1x256xf32> to vector<256xf32>
    %add3A_756 = arith.addf %get3A_751, %get3A_755 : vector<256xf32>
    %broadcast_in_dim3A_757 = vector.shape_cast %add3A_756 : vector<256xf32> to vector<1x256xf32>
    %mul3A_758 = vector.broadcast %concatenate3A_738 : vector<256x1xf32> to vector<256x256xf32>
    %mul3A_759 = vector.broadcast %broadcast_in_dim3A_757 : vector<1x256xf32> to vector<256x256xf32>
    %mul3A_760 = arith.mulf %mul3A_758, %mul3A_759 : vector<256x256xf32>
    %add3A_761 = arith.addf %add3A_747, %mul3A_760 : vector<256x256xf32>
    %slice3A_762 = vector.extract_strided_slice %dot_general3A_115 {offsets = [96, 0], sizes = [16, 256], strides = [1, 1]} : vector<128x256xf32> to vector<16x256xf32>
    %slice3A_763 = vector.extract_strided_slice %dot_general3A_135 {offsets = [96, 0], sizes = [16, 256], strides = [1, 1]} : vector<128x256xf32> to vector<16x256xf32>
    %slice3A_764 = vector.extract_strided_slice %dot_general3A_155 {offsets = [96, 0], sizes = [16, 256], strides = [1, 1]} : vector<128x256xf32> to vector<16x256xf32>
    %slice3A_765 = vector.extract_strided_slice %dot_general3A_175 {offsets = [96, 0], sizes = [16, 256], strides = [1, 1]} : vector<128x256xf32> to vector<16x256xf32>
    %slice3A_766 = vector.extract_strided_slice %dot_general3A_195 {offsets = [96, 0], sizes = [16, 256], strides = [1, 1]} : vector<128x256xf32> to vector<16x256xf32>
    %slice3A_767 = vector.extract_strided_slice %dot_general3A_215 {offsets = [96, 0], sizes = [16, 256], strides = [1, 1]} : vector<128x256xf32> to vector<16x256xf32>
    %slice3A_768 = vector.extract_strided_slice %dot_general3A_235 {offsets = [96, 0], sizes = [16, 256], strides = [1, 1]} : vector<128x256xf32> to vector<16x256xf32>
    %slice3A_769 = vector.extract_strided_slice %dot_general3A_255 {offsets = [96, 0], sizes = [16, 256], strides = [1, 1]} : vector<128x256xf32> to vector<16x256xf32>
    %slice3A_770 = vector.extract_strided_slice %dot_general3A_275 {offsets = [96, 0], sizes = [16, 256], strides = [1, 1]} : vector<128x256xf32> to vector<16x256xf32>
    %slice3A_771 = vector.extract_strided_slice %dot_general3A_295 {offsets = [96, 0], sizes = [16, 256], strides = [1, 1]} : vector<128x256xf32> to vector<16x256xf32>
    %slice3A_772 = vector.extract_strided_slice %dot_general3A_315 {offsets = [96, 0], sizes = [16, 256], strides = [1, 1]} : vector<128x256xf32> to vector<16x256xf32>
    %slice3A_773 = vector.extract_strided_slice %dot_general3A_335 {offsets = [96, 0], sizes = [16, 256], strides = [1, 1]} : vector<128x256xf32> to vector<16x256xf32>
    %slice3A_774 = vector.extract_strided_slice %dot_general3A_355 {offsets = [96, 0], sizes = [16, 256], strides = [1, 1]} : vector<128x256xf32> to vector<16x256xf32>
    %slice3A_775 = vector.extract_strided_slice %dot_general3A_375 {offsets = [96, 0], sizes = [16, 256], strides = [1, 1]} : vector<128x256xf32> to vector<16x256xf32>
    %slice3A_776 = vector.extract_strided_slice %dot_general3A_395 {offsets = [96, 0], sizes = [16, 256], strides = [1, 1]} : vector<128x256xf32> to vector<16x256xf32>
    %slice3A_777 = vector.extract_strided_slice %dot_general3A_415 {offsets = [96, 0], sizes = [16, 256], strides = [1, 1]} : vector<128x256xf32> to vector<16x256xf32>
    %concatenate3A_778 = tpu.concatenate %slice3A_762, %slice3A_763, %slice3A_764, %slice3A_765, %slice3A_766, %slice3A_767, %slice3A_768, %slice3A_769, %slice3A_770, %slice3A_771, %slice3A_772, %slice3A_773, %slice3A_774, %slice3A_775, %slice3A_776, %slice3A_777 in 0 : vector<16x256xf32>, vector<16x256xf32>, vector<16x256xf32>, vector<16x256xf32>, vector<16x256xf32>, vector<16x256xf32>, vector<16x256xf32>, vector<16x256xf32>, vector<16x256xf32>, vector<16x256xf32>, vector<16x256xf32>, vector<16x256xf32>, vector<16x256xf32>, vector<16x256xf32>, vector<16x256xf32>, vector<16x256xf32> -> vector<256x256xf32>
    %slice3A_779 = vector.extract_strided_slice %dot_general3A_117 {offsets = [96, 0], sizes = [16, 1], strides = [1, 1]} : vector<128x1xf32> to vector<16x1xf32>
    %slice3A_780 = vector.extract_strided_slice %dot_general3A_137 {offsets = [96, 0], sizes = [16, 1], strides = [1, 1]} : vector<128x1xf32> to vector<16x1xf32>
    %slice3A_781 = vector.extract_strided_slice %dot_general3A_157 {offsets = [96, 0], sizes = [16, 1], strides = [1, 1]} : vector<128x1xf32> to vector<16x1xf32>
    %slice3A_782 = vector.extract_strided_slice %dot_general3A_177 {offsets = [96, 0], sizes = [16, 1], strides = [1, 1]} : vector<128x1xf32> to vector<16x1xf32>
    %slice3A_783 = vector.extract_strided_slice %dot_general3A_197 {offsets = [96, 0], sizes = [16, 1], strides = [1, 1]} : vector<128x1xf32> to vector<16x1xf32>
    %slice3A_784 = vector.extract_strided_slice %dot_general3A_217 {offsets = [96, 0], sizes = [16, 1], strides = [1, 1]} : vector<128x1xf32> to vector<16x1xf32>
    %slice3A_785 = vector.extract_strided_slice %dot_general3A_237 {offsets = [96, 0], sizes = [16, 1], strides = [1, 1]} : vector<128x1xf32> to vector<16x1xf32>
    %slice3A_786 = vector.extract_strided_slice %dot_general3A_257 {offsets = [96, 0], sizes = [16, 1], strides = [1, 1]} : vector<128x1xf32> to vector<16x1xf32>
    %slice3A_787 = vector.extract_strided_slice %dot_general3A_277 {offsets = [96, 0], sizes = [16, 1], strides = [1, 1]} : vector<128x1xf32> to vector<16x1xf32>
    %slice3A_788 = vector.extract_strided_slice %dot_general3A_297 {offsets = [96, 0], sizes = [16, 1], strides = [1, 1]} : vector<128x1xf32> to vector<16x1xf32>
    %slice3A_789 = vector.extract_strided_slice %dot_general3A_317 {offsets = [96, 0], sizes = [16, 1], strides = [1, 1]} : vector<128x1xf32> to vector<16x1xf32>
    %slice3A_790 = vector.extract_strided_slice %dot_general3A_337 {offsets = [96, 0], sizes = [16, 1], strides = [1, 1]} : vector<128x1xf32> to vector<16x1xf32>
    %slice3A_791 = vector.extract_strided_slice %dot_general3A_357 {offsets = [96, 0], sizes = [16, 1], strides = [1, 1]} : vector<128x1xf32> to vector<16x1xf32>
    %slice3A_792 = vector.extract_strided_slice %dot_general3A_377 {offsets = [96, 0], sizes = [16, 1], strides = [1, 1]} : vector<128x1xf32> to vector<16x1xf32>
    %slice3A_793 = vector.extract_strided_slice %dot_general3A_397 {offsets = [96, 0], sizes = [16, 1], strides = [1, 1]} : vector<128x1xf32> to vector<16x1xf32>
    %slice3A_794 = vector.extract_strided_slice %dot_general3A_417 {offsets = [96, 0], sizes = [16, 1], strides = [1, 1]} : vector<128x1xf32> to vector<16x1xf32>
    %concatenate3A_795 = tpu.concatenate %slice3A_779, %slice3A_780, %slice3A_781, %slice3A_782, %slice3A_783, %slice3A_784, %slice3A_785, %slice3A_786, %slice3A_787, %slice3A_788, %slice3A_789, %slice3A_790, %slice3A_791, %slice3A_792, %slice3A_793, %slice3A_794 in 0 : vector<16x1xf32>, vector<16x1xf32>, vector<16x1xf32>, vector<16x1xf32>, vector<16x1xf32>, vector<16x1xf32>, vector<16x1xf32>, vector<16x1xf32>, vector<16x1xf32>, vector<16x1xf32>, vector<16x1xf32>, vector<16x1xf32>, vector<16x1xf32>, vector<16x1xf32>, vector<16x1xf32>, vector<16x1xf32> -> vector<256x1xf32>
    %convert_element_type3A_796 = arith.truncf %concatenate3A_778 : vector<256x256xf32> to vector<256x256xbf16>
    %get3A_797 = arith.constant 6 : index
    %get3A_798 = arith.constant 0 : index
    %get3A_799 = arith.constant 0 : index
    %get3A_800 = vector.load %arg9[%get3A_797, %get3A_798, %get3A_799] : memref<8x256x256xbf16, #tpu.memory_space<vmem>>, vector<1x256x256xbf16>
    %get3A_801 = vector.shape_cast %get3A_800 : vector<1x256x256xbf16> to vector<256x256xbf16>
    %dot_general3A_802 = arith.constant dense<0.000000e+00> : vector<256x256xf32>
    %dot_general3A_803 = tpu.matmul %convert_element_type3A_796, %get3A_801, %dot_general3A_802 {dimension_numbers = #tpu.dot_dimension_numbers<[1], [0], [0], [1], [0, 0, 1, 1], [], []>, transpose_lhs_hint = false} : vector<256x256xbf16>, vector<256x256xbf16>, vector<256x256xf32> -> vector<256x256xf32>
    %add3A_804 = arith.addf %add3A_761, %dot_general3A_803 : vector<256x256xf32>
    %get3A_805 = arith.constant 6 : index
    %get3A_806 = arith.constant 0 : index
    %get3A_807 = vector.load %arg10[%get3A_805, %get3A_806] : memref<8x256xf32, #tpu.memory_space<vmem>>, vector<1x256xf32>
    %get3A_808 = vector.shape_cast %get3A_807 : vector<1x256xf32> to vector<256xf32>
    %get3A_809 = arith.constant 6 : index
    %get3A_810 = arith.constant 0 : index
    %get3A_811 = vector.load %arg6[%get3A_809, %get3A_810] : memref<8x256xf32, #tpu.memory_space<vmem>>, vector<1x256xf32>
    %get3A_812 = vector.shape_cast %get3A_811 : vector<1x256xf32> to vector<256xf32>
    %add3A_813 = arith.addf %get3A_808, %get3A_812 : vector<256xf32>
    %broadcast_in_dim3A_814 = vector.shape_cast %add3A_813 : vector<256xf32> to vector<1x256xf32>
    %mul3A_815 = vector.broadcast %concatenate3A_795 : vector<256x1xf32> to vector<256x256xf32>
    %mul3A_816 = vector.broadcast %broadcast_in_dim3A_814 : vector<1x256xf32> to vector<256x256xf32>
    %mul3A_817 = arith.mulf %mul3A_815, %mul3A_816 : vector<256x256xf32>
    %add3A_818 = arith.addf %add3A_804, %mul3A_817 : vector<256x256xf32>
    %slice3A_819 = vector.extract_strided_slice %dot_general3A_115 {offsets = [112, 0], sizes = [16, 256], strides = [1, 1]} : vector<128x256xf32> to vector<16x256xf32>
    %slice3A_820 = vector.extract_strided_slice %dot_general3A_135 {offsets = [112, 0], sizes = [16, 256], strides = [1, 1]} : vector<128x256xf32> to vector<16x256xf32>
    %slice3A_821 = vector.extract_strided_slice %dot_general3A_155 {offsets = [112, 0], sizes = [16, 256], strides = [1, 1]} : vector<128x256xf32> to vector<16x256xf32>
    %slice3A_822 = vector.extract_strided_slice %dot_general3A_175 {offsets = [112, 0], sizes = [16, 256], strides = [1, 1]} : vector<128x256xf32> to vector<16x256xf32>
    %slice3A_823 = vector.extract_strided_slice %dot_general3A_195 {offsets = [112, 0], sizes = [16, 256], strides = [1, 1]} : vector<128x256xf32> to vector<16x256xf32>
    %slice3A_824 = vector.extract_strided_slice %dot_general3A_215 {offsets = [112, 0], sizes = [16, 256], strides = [1, 1]} : vector<128x256xf32> to vector<16x256xf32>
    %slice3A_825 = vector.extract_strided_slice %dot_general3A_235 {offsets = [112, 0], sizes = [16, 256], strides = [1, 1]} : vector<128x256xf32> to vector<16x256xf32>
    %slice3A_826 = vector.extract_strided_slice %dot_general3A_255 {offsets = [112, 0], sizes = [16, 256], strides = [1, 1]} : vector<128x256xf32> to vector<16x256xf32>
    %slice3A_827 = vector.extract_strided_slice %dot_general3A_275 {offsets = [112, 0], sizes = [16, 256], strides = [1, 1]} : vector<128x256xf32> to vector<16x256xf32>
    %slice3A_828 = vector.extract_strided_slice %dot_general3A_295 {offsets = [112, 0], sizes = [16, 256], strides = [1, 1]} : vector<128x256xf32> to vector<16x256xf32>
    %slice3A_829 = vector.extract_strided_slice %dot_general3A_315 {offsets = [112, 0], sizes = [16, 256], strides = [1, 1]} : vector<128x256xf32> to vector<16x256xf32>
    %slice3A_830 = vector.extract_strided_slice %dot_general3A_335 {offsets = [112, 0], sizes = [16, 256], strides = [1, 1]} : vector<128x256xf32> to vector<16x256xf32>
    %slice3A_831 = vector.extract_strided_slice %dot_general3A_355 {offsets = [112, 0], sizes = [16, 256], strides = [1, 1]} : vector<128x256xf32> to vector<16x256xf32>
    %slice3A_832 = vector.extract_strided_slice %dot_general3A_375 {offsets = [112, 0], sizes = [16, 256], strides = [1, 1]} : vector<128x256xf32> to vector<16x256xf32>
    %slice3A_833 = vector.extract_strided_slice %dot_general3A_395 {offsets = [112, 0], sizes = [16, 256], strides = [1, 1]} : vector<128x256xf32> to vector<16x256xf32>
    %slice3A_834 = vector.extract_strided_slice %dot_general3A_415 {offsets = [112, 0], sizes = [16, 256], strides = [1, 1]} : vector<128x256xf32> to vector<16x256xf32>
    %concatenate3A_835 = tpu.concatenate %slice3A_819, %slice3A_820, %slice3A_821, %slice3A_822, %slice3A_823, %slice3A_824, %slice3A_825, %slice3A_826, %slice3A_827, %slice3A_828, %slice3A_829, %slice3A_830, %slice3A_831, %slice3A_832, %slice3A_833, %slice3A_834 in 0 : vector<16x256xf32>, vector<16x256xf32>, vector<16x256xf32>, vector<16x256xf32>, vector<16x256xf32>, vector<16x256xf32>, vector<16x256xf32>, vector<16x256xf32>, vector<16x256xf32>, vector<16x256xf32>, vector<16x256xf32>, vector<16x256xf32>, vector<16x256xf32>, vector<16x256xf32>, vector<16x256xf32>, vector<16x256xf32> -> vector<256x256xf32>
    %slice3A_836 = vector.extract_strided_slice %dot_general3A_117 {offsets = [112, 0], sizes = [16, 1], strides = [1, 1]} : vector<128x1xf32> to vector<16x1xf32>
    %slice3A_837 = vector.extract_strided_slice %dot_general3A_137 {offsets = [112, 0], sizes = [16, 1], strides = [1, 1]} : vector<128x1xf32> to vector<16x1xf32>
    %slice3A_838 = vector.extract_strided_slice %dot_general3A_157 {offsets = [112, 0], sizes = [16, 1], strides = [1, 1]} : vector<128x1xf32> to vector<16x1xf32>
    %slice3A_839 = vector.extract_strided_slice %dot_general3A_177 {offsets = [112, 0], sizes = [16, 1], strides = [1, 1]} : vector<128x1xf32> to vector<16x1xf32>
    %slice3A_840 = vector.extract_strided_slice %dot_general3A_197 {offsets = [112, 0], sizes = [16, 1], strides = [1, 1]} : vector<128x1xf32> to vector<16x1xf32>
    %slice3A_841 = vector.extract_strided_slice %dot_general3A_217 {offsets = [112, 0], sizes = [16, 1], strides = [1, 1]} : vector<128x1xf32> to vector<16x1xf32>
    %slice3A_842 = vector.extract_strided_slice %dot_general3A_237 {offsets = [112, 0], sizes = [16, 1], strides = [1, 1]} : vector<128x1xf32> to vector<16x1xf32>
    %slice3A_843 = vector.extract_strided_slice %dot_general3A_257 {offsets = [112, 0], sizes = [16, 1], strides = [1, 1]} : vector<128x1xf32> to vector<16x1xf32>
    %slice3A_844 = vector.extract_strided_slice %dot_general3A_277 {offsets = [112, 0], sizes = [16, 1], strides = [1, 1]} : vector<128x1xf32> to vector<16x1xf32>
    %slice3A_845 = vector.extract_strided_slice %dot_general3A_297 {offsets = [112, 0], sizes = [16, 1], strides = [1, 1]} : vector<128x1xf32> to vector<16x1xf32>
    %slice3A_846 = vector.extract_strided_slice %dot_general3A_317 {offsets = [112, 0], sizes = [16, 1], strides = [1, 1]} : vector<128x1xf32> to vector<16x1xf32>
    %slice3A_847 = vector.extract_strided_slice %dot_general3A_337 {offsets = [112, 0], sizes = [16, 1], strides = [1, 1]} : vector<128x1xf32> to vector<16x1xf32>
    %slice3A_848 = vector.extract_strided_slice %dot_general3A_357 {offsets = [112, 0], sizes = [16, 1], strides = [1, 1]} : vector<128x1xf32> to vector<16x1xf32>
    %slice3A_849 = vector.extract_strided_slice %dot_general3A_377 {offsets = [112, 0], sizes = [16, 1], strides = [1, 1]} : vector<128x1xf32> to vector<16x1xf32>
    %slice3A_850 = vector.extract_strided_slice %dot_general3A_397 {offsets = [112, 0], sizes = [16, 1], strides = [1, 1]} : vector<128x1xf32> to vector<16x1xf32>
    %slice3A_851 = vector.extract_strided_slice %dot_general3A_417 {offsets = [112, 0], sizes = [16, 1], strides = [1, 1]} : vector<128x1xf32> to vector<16x1xf32>
    %concatenate3A_852 = tpu.concatenate %slice3A_836, %slice3A_837, %slice3A_838, %slice3A_839, %slice3A_840, %slice3A_841, %slice3A_842, %slice3A_843, %slice3A_844, %slice3A_845, %slice3A_846, %slice3A_847, %slice3A_848, %slice3A_849, %slice3A_850, %slice3A_851 in 0 : vector<16x1xf32>, vector<16x1xf32>, vector<16x1xf32>, vector<16x1xf32>, vector<16x1xf32>, vector<16x1xf32>, vector<16x1xf32>, vector<16x1xf32>, vector<16x1xf32>, vector<16x1xf32>, vector<16x1xf32>, vector<16x1xf32>, vector<16x1xf32>, vector<16x1xf32>, vector<16x1xf32>, vector<16x1xf32> -> vector<256x1xf32>
    %convert_element_type3A_853 = arith.truncf %concatenate3A_835 : vector<256x256xf32> to vector<256x256xbf16>
    %get3A_854 = arith.constant 7 : index
    %get3A_855 = arith.constant 0 : index
    %get3A_856 = arith.constant 0 : index
    %get3A_857 = vector.load %arg9[%get3A_854, %get3A_855, %get3A_856] : memref<8x256x256xbf16, #tpu.memory_space<vmem>>, vector<1x256x256xbf16>
    %get3A_858 = vector.shape_cast %get3A_857 : vector<1x256x256xbf16> to vector<256x256xbf16>
    %dot_general3A_859 = arith.constant dense<0.000000e+00> : vector<256x256xf32>
    %dot_general3A_860 = tpu.matmul %convert_element_type3A_853, %get3A_858, %dot_general3A_859 {dimension_numbers = #tpu.dot_dimension_numbers<[1], [0], [0], [1], [0, 0, 1, 1], [], []>, transpose_lhs_hint = false} : vector<256x256xbf16>, vector<256x256xbf16>, vector<256x256xf32> -> vector<256x256xf32>
    %add3A_861 = arith.addf %add3A_818, %dot_general3A_860 : vector<256x256xf32>
    %get3A_862 = arith.constant 7 : index
    %get3A_863 = arith.constant 0 : index
    %get3A_864 = vector.load %arg10[%get3A_862, %get3A_863] : memref<8x256xf32, #tpu.memory_space<vmem>>, vector<1x256xf32>
    %get3A_865 = vector.shape_cast %get3A_864 : vector<1x256xf32> to vector<256xf32>
    %get3A_866 = arith.constant 7 : index
    %get3A_867 = arith.constant 0 : index
    %get3A_868 = vector.load %arg6[%get3A_866, %get3A_867] : memref<8x256xf32, #tpu.memory_space<vmem>>, vector<1x256xf32>
    %get3A_869 = vector.shape_cast %get3A_868 : vector<1x256xf32> to vector<256xf32>
    %add3A_870 = arith.addf %get3A_865, %get3A_869 : vector<256xf32>
    %broadcast_in_dim3A_871 = vector.shape_cast %add3A_870 : vector<256xf32> to vector<1x256xf32>
    %mul3A_872 = vector.broadcast %concatenate3A_852 : vector<256x1xf32> to vector<256x256xf32>
    %mul3A_873 = vector.broadcast %broadcast_in_dim3A_871 : vector<1x256xf32> to vector<256x256xf32>
    %mul3A_874 = arith.mulf %mul3A_872, %mul3A_873 : vector<256x256xf32>
    %add3A_875 = arith.addf %add3A_861, %mul3A_874 : vector<256x256xf32>
    %get3A_876 = arith.constant 0 : index
    %get3A_877 = arith.constant 0 : index
    %get3A_878 = vector.load %arg5[%get3A_876, %get3A_877] : memref<256x16xf32, #tpu.memory_space<vmem>>, vector<256x16xf32>
    %reduce_sum3A = arith.constant dense<0.000000e+00> : vector<256xf32>
    %reduce_sum3A_879 = vector.multi_reduction <add>, %get3A_878, %reduce_sum3A [1] : vector<256x16xf32> to vector<256xf32>
    %broadcast_in_dim3A_880 = vector.shape_cast %reduce_sum3A_879 : vector<256xf32> to vector<256x1xf32>
    %jit3A_881 = arith.constant 1.000000e+00 : f32
    %max3A = vector.broadcast %jit3A_881 : f32 to vector<256x1xf32>
    %max3A_882 = arith.maximumf %max3A, %broadcast_in_dim3A_880 : vector<256x1xf32>
    %div3A_883 = vector.broadcast %max3A_882 : vector<256x1xf32> to vector<256x256xf32>
    %div3A_884 = arith.divf %add3A_875, %div3A_883 : vector<256x256xf32>
    %swap3A = arith.constant 0 : index
    %swap3A_885 = arith.constant 0 : index
    %swap3A_886 = vector.load %arg11[%swap3A, %swap3A_885] : memref<256x256xf32, #tpu.memory_space<vmem>>, vector<256x256xf32>
    tpu.vector_store %arg11[%swap3A, %swap3A_885], %div3A_884 {strides = array<i32>} : memref<256x256xf32, #tpu.memory_space<vmem>>, vector<256x256xf32>,
    return
  }
  func.func @transform_0(%arg0: i32) -> (i32, i32) {
    %c0_i32 = arith.constant 0 : i32
    %c0_i32_0 = arith.constant 0 : i32
    return %arg0, %c0_i32 : i32, i32
  }
  func.func @transform_1(%arg0: i32) -> (i32, i32) {
    %c0_i32 = arith.constant 0 : i32
    %c0_i32_0 = arith.constant 0 : i32
    return %arg0, %c0_i32 : i32, i32
  }
  func.func @transform_2(%arg0: i32) -> (i32, i32, i32) {
    %c0_i32 = arith.constant 0 : i32
    %c0_i32_0 = arith.constant 0 : i32
    %c0_i32_1 = arith.constant 0 : i32
    return %arg0, %c0_i32, %c0_i32_0 : i32, i32, i32
  }
  func.func @transform_3(%arg0: i32) -> (i32, i32, i32) {
    %c0_i32 = arith.constant 0 : i32
    %c0_i32_0 = arith.constant 0 : i32
    %c0_i32_1 = arith.constant 0 : i32
    return %arg0, %c0_i32, %c0_i32_0 : i32, i32, i32
  }
  func.func @transform_4(%arg0: i32) -> (i32, i32) {
    %c0_i32 = arith.constant 0 : i32
    %c0_i32_0 = arith.constant 0 : i32
    return %arg0, %c0_i32 : i32, i32
  }
  func.func @transform_5(%arg0: i32) -> (i32, i32) {
    %c0_i32 = arith.constant 0 : i32
    %c0_i32_0 = arith.constant 0 : i32
    %c0_i32_1 = arith.constant 0 : i32
    return %c0_i32, %c0_i32_0 : i32, i32
  }
  func.func @transform_6(%arg0: i32) -> (i32, i32) {
    %c0_i32 = arith.constant 0 : i32
    %c0_i32_0 = arith.constant 0 : i32
    %c0_i32_1 = arith.constant 0 : i32
    return %c0_i32, %c0_i32_0 : i32, i32
  }
  func.func @transform_7(%arg0: i32) -> (i32, i32) {
    %c0_i32 = arith.constant 0 : i32
    %c0_i32_0 = arith.constant 0 : i32
    %c0_i32_1 = arith.constant 0 : i32
    return %c0_i32, %c0_i32_0 : i32, i32
  }
  func.func @transform_8(%arg0: i32) -> (i32, i32, i32) {
    %c0_i32 = arith.constant 0 : i32
    %c0_i32_0 = arith.constant 0 : i32
    %c0_i32_1 = arith.constant 0 : i32
    %c0_i32_2 = arith.constant 0 : i32
    return %c0_i32, %c0_i32_0, %c0_i32_1 : i32, i32, i32
  }
  func.func @transform_9(%arg0: i32) -> (i32, i32) {
    %c0_i32 = arith.constant 0 : i32
    %c0_i32_0 = arith.constant 0 : i32
    %c0_i32_1 = arith.constant 0 : i32
    return %c0_i32, %c0_i32_0 : i32, i32
  }
  func.func @transform_10(%arg0: i32) -> (i32, i32) {
    %c0_i32 = arith.constant 0 : i32
    %c0_i32_0 = arith.constant 0 : i32
    return %arg0, %c0_i32 : i32, i32
  }
}

</mosaic_0001>

<sc_bundles>
// kernel: kernel.6.cloned.1.call-start
scs
__scs_entry_jumppad:
0x0: {  	(pc) =	sbr.rel $0x88, $3  }
0x1: {  	(tag) =	ssettag $0x0;
	lr =	simm.s32 $0x1  }
0x2: {  	[smem:$0x3F8D] =	sst lr;
	_ =	strace $0xD0000000  }
0x3: {  	_ = 	snop  }
0x4: {  	_ = 	snop  }
0x5: {  	_ = 	snop  }
0x6: {  	_ = 	snop  }
0x7: {  	_ = 	snop  }
__scs_overlays_trampoline_lowered:
0x8: {  	[smem:$0x3F9C] =	sst s0  }
0x9: {  	[smem:$0x3F9D] =	sst s1  }
0xa: {  	[smem:$0x3F9E] =	sst s2  }
0xb: {  	[smem:$0x3F9F] =	sst s3  }
0xc: {  	[smem:$0x3FA0] =	sst s4  }
0xd: {  	[smem:$0x3FA1] =	sst s5  }
0xe: {  	[smem:$0x3FA2] =	sst s6  }
0xf: {  	[smem:$0x3FA3] =	sst s7  }
0x10: {  	[smem:$0x3FA4] =	sst s8  }
0x11: {  	[smem:$0x3FA5] =	sst s9;
	s0 =	simm.s32 @!p0 $0x0  }
0x12: {  	s1 =	sld [smem:$0x3F8B];
	s0 =	simm.s32 @p0 $0x1  }
0x13: {  	[smem:$0x3FA6] =	sst s0;
	s0 =	simm.s32 @!p1 $0x0  }
0x14: {  	s2 =	sld [smem:$0x3F8A];
	s0 =	simm.s32 @p1 $0x1  }
0x15: {  	[smem:$0x3FA7] =	sst s0;
	s0 =	simm.s32 @!p2 $0x0  }
0x16: {  	s3 =	sld [smem:$0x3FDB];
	s0 =	simm.s32 @p2 $0x1  }
0x17: {  	s4 =	simm.s32 $0x1BF5;
	[smem:$0x3FA9] =	sst s0  }
0x18: {  	s0 =	sld [smem:$0x3F8C];
	_ =	swait.ge [sflag:s4], $0x0  }
0x19: {  	s7 =	sld [smem:$0x3F8D]  }
0x1a: {  	s8 =	sadd.s32 $0xFFFFE003, lr  }
0x1b: {  	s9 =	sadd.s32 $0xFFFFFEF7, lr;
	s5 =	simm.s32 $0xFFFFFFFF;
	p2 =	slt.u32 s8, $0xFFFFF086  }
0x1c: {  	p1 =	slt.u32 s9, $0xF7A;
	s5 =	simm.s32 @!p2 $0x0  }
0x1d: {  	s5 =	simm.s32 @p1 $0x1;
	p0 =	seq.s32 s7, s2  }
0x1e: {  	s7 =	smul.u32 @!p0 $0xF7A, s2;
	p2 =	seq.s32 @!p0 s5, $0x0  }
0x1f: {  	s9 =	smul.u32 $0xF7A, s1;
	s8 =	simm.s32 @!p0 $0x1BF5;
	p2 =	por !p2, p0  }
0x20: {  	[sflag:s8] =	ssyncset.s32 @!p0 $0xFFFFF086;
	s6 =	sadd.s32 @!p0 s3, s7;
	s7 =	simm.s32 @!p0 $0x108  }
0x21: {  	s3 =	sadd.s32 s3, s9;
	s6 =	sadd.s32 @!p0 $0x88, s6;
	s7 =	simm.s32 @p2 $0x1082  }
0x22: {  	[simem:s7], [sflag:s8] =	dma.local @!p0 [hbm:s6], $0xF7A  }
0x23: {  	s9 =	sor.u32 $0xD0000000, s2;
	s6 =	simm.s32 $0x108;
	_ =	swait.ge @!p0 [sflag:s8], $0x0  }
0x24: {  	s3 =	sadd.s32 $0x88, s3;
	s6 =	simm.s32 @!p1 $0x1082;
	[sflag:s4] =	ssyncset.s32 $0xFFFFF086  }
0x25: {  	[simem:s6], [sflag:s4] =	dma.local [hbm:s3], $0xF7A  }
0x26: {  	[smem:$0x3F8D] =	sst s1;
	(tag) =	ssettag s2;
	_ =	strace s9  }
0x27: {  	s1 =	sld [smem:$0x3F9D]  }
0x28: {  	s2 =	sld [smem:$0x3F9E]  }
0x29: {  	s4 =	sld [smem:$0x3FA0]  }
0x2a: {  	p0 =	seq.s32 s5, $0x0;
	s5 =	sld [smem:$0x3FA1]  }
0x2b: {  	s6 =	sld [smem:$0x3FA2]  }
0x2c: {  	s7 =	sld [smem:$0x3FA3]  }
0x2d: {  	s3 =	simm.s32 $0x108;
	s8 =	sld [smem:$0x3FA4]  }
0x2e: {  	s3 =	simm.s32 @!p0 $0x1082;
	s9 =	sld [smem:$0x3FA5]  }
0x2f: {  	lr =	sadd.s32 s0, s3;
	s0 =	sld [smem:$0x3F9C]  }
0x30: {  	s3 =	sld [smem:$0x3F9F]  }
0x31: {  	[smem:$0x3FA8] =	sst s10  }
0x32: {  	s10 =	sld [smem:$0x3FA6];
	_ =	sdelay $0x3  }
0x33: {  	p0 =	seq.s32 s10, $0x1;
	s10 =	sld [smem:$0x3FA8];
	_ =	sdelay $0x3  }
0x34: {  	[smem:$0x3FA8] =	sst s10  }
0x35: {  	s10 =	sld [smem:$0x3FA7];
	_ =	sdelay $0x3  }
0x36: {  	p1 =	seq.s32 s10, $0x1;
	s10 =	sld [smem:$0x3FA8];
	_ =	sdelay $0x3  }
0x37: {  	[smem:$0x3FA8] =	sst s10  }
0x38: {  	s10 =	sld [smem:$0x3FA9]  }
0x39: {  	_ = 	snop;
	(pc) =	sbr.ind lr, $3  }
0x3a: {  	_ = 	snop  }
0x3b: {  	_ = 	snop  }
0x3c: {  	p2 =	seq.s32 s10, $0x1;
	s10 =	sld [smem:$0x3FA8]  }
0x3d: {  	_ =	shalt  }
0x3e: {  	_ =	shalt  }
0x3f: {  	_ =	shalt  }
0x40: {  	_ =	shalt  }
0x41: {  	_ =	shalt  }
0x42: {  	_ =	shalt  }
0x43: {  	_ =	shalt  }
0x44: {  	_ =	shalt  }
0x45: {  	_ =	shalt  }
0x46: {  	_ =	shalt  }
0x47: {  	_ =	shalt  }
0x48: {  	_ =	shalt  }
0x49: {  	_ =	shalt  }
0x4a: {  	_ =	shalt  }
0x4b: {  	_ =	shalt  }
0x4c: {  	_ =	shalt  }
0x4d: {  	_ =	shalt  }
0x4e: {  	_ =	shalt  }
0x4f: {  	_ =	shalt  }
0x50: {  	_ =	shalt  }
0x51: {  	_ =	shalt  }
0x52: {  	_ =	shalt  }
0x53: {  	_ =	shalt  }
0x54: {  	_ =	shalt  }
0x55: {  	_ =	shalt  }
0x56: {  	_ =	shalt  }
0x57: {  	_ =	shalt  }
0x58: {  	_ =	shalt  }
0x59: {  	_ =	shalt  }
0x5a: {  	_ =	shalt  }
0x5b: {  	_ =	shalt  }
0x5c: {  	_ =	shalt  }
0x5d: {  	_ =	shalt  }
0x5e: {  	_ =	shalt  }
0x5f: {  	_ =	shalt  }
0x60: {  	_ =	shalt  }
0x61: {  	_ =	shalt  }
0x62: {  	_ =	shalt  }
0x63: {  	_ =	shalt  }
0x64: {  	_ =	shalt  }
0x65: {  	_ =	shalt  }
0x66: {  	_ =	shalt  }
0x67: {  	_ =	shalt  }
0x68: {  	_ =	shalt  }
0x69: {  	_ =	shalt  }
0x6a: {  	_ =	shalt  }
0x6b: {  	_ =	shalt  }
0x6c: {  	_ =	shalt  }
0x6d: {  	_ =	shalt  }
0x6e: {  	_ =	shalt  }
0x6f: {  	_ =	shalt  }
0x70: {  	_ =	shalt  }
0x71: {  	_ =	shalt  }
0x72: {  	_ =	shalt  }
0x73: {  	_ =	shalt  }
0x74: {  	_ =	shalt  }
0x75: {  	_ =	shalt  }
0x76: {  	_ =	shalt  }
0x77: {  	_ =	shalt  }
0x78: {  	_ =	shalt  }
0x79: {  	_ =	shalt  }
0x7a: {  	_ =	shalt  }
0x7b: {  	_ =	shalt  }
0x7c: {  	_ =	shalt  }
0x7d: {  	_ =	shalt  }
0x7e: {  	_ =	shalt  }
0x7f: {  	_ =	shalt  }
0x80: {  	_ =	shalt  }
0x81: {  	_ =	shalt  }
0x82: {  	_ =	shalt  }
0x83: {  	_ =	shalt  }
0x84: {  	_ =	shalt  }
0x85: {  	_ =	shalt  }
0x86: {  	_ =	shalt  }
0x87: {  	_ =	shalt  }
.Lfunc_end0:
.L_simem_size_0:
called_computation_lowered:
.L_overlay_start_0:
0x88: {  	s2 =	sld [smem:$0x3FD9]  }
0x89: {  	s3 =	sld [smem:$0x3FFE];
	_ =	sdelay $0x1  }
0x8a: {  	s1 =	srdreg.scid  }
0x8b: {  	s0 =	sand.u32 $0x1, s1  }
0x8c: {  	s17 =	sshll.u32 s0, $0xA;
	s2 =	sadd.s32 s3, s2  }
0x8d: {  	s2 =	sadd.s32 s2, s17  }
0x8e: {  	[smem:$0x3FB4] =	sst s2  }
0x8f: {  	_ = 	snop  }
0x90: {  	s2 =	sld [smem:$0x3FC6]  }
0x91: {  	s18 =	sld [smem:$0x3FC5]  }
0x92: {  	s4 =	sld [smem:$0x3FC1]  }
0x93: {  	s5 =	sld [smem:$0x3FC0]  }
0x94: {  	s6 =	sld [smem:$0x3FD0];
	(tm) =	ssettm $0x1  }
0x95: {  	s7 =	sld [smem:$0x3FFB];
	_ =	sdelay $0x3  }
0x96: {  	_ =	strace s7  }
0x97: {  	s7 =	sld [smem:$0x3FFC];
	_ =	sdelay $0x3  }
0x98: {  	_ =	strace s7  }
0x99: {  	s7 =	sld [smem:$0x3FFD];
	_ =	sdelay $0x3  }
0x9a: {  	_ =	strace s7  }
0x9b: {  	_ =	strace $0x8FFFFFFF  }
0x9c: {  	s19 =	sld [smem:$0x3FDB];
	_ =	sdelay $0x1  }
0x9d: {  	s8 =	simm.s32 $_scs_section_size  }
0x9e: {  	s9 =	simm.s32 $_size__tile_overlayer_lowered;
	s10 =	simm.s32 $_tile_overlayer_lowered  }
0x9f: {  	s22 =	simm.s32 $0x1BFF;
	s21 =	sshll.u32 s10, $0x1;
	s7 =	sadd.s32 s8, s19  }
0xa0: {  	s11 =	simm.s32 $0x0;
	s20 =	sshll.u32 s9, $0x1;
	s9 =	sadd.s32 s21, s7  }
0xa1: {  	[timem:s11], [sflag:s22] =	dma.local [hbm:s9], s20  }
0xa2: {  	_ =	swait.ge [sflag:s22], s20  }
0xa3: {  	s8 =	ssub.s32 $0x0, s20;
	[sflag:s22] =	ssyncset.done $0x0  }
0xa4: {  	[sflag:s22] =	ssyncadd.s32 s8;
	_ =	sdelay $0x1  }
0xa5: {  	s23 =	simm.s32 $0x1B8B  }
0xa6: {  	_ =	swait.ge [sflag:s23], $0x1  }
0xa7: {  	[sflag:s23] =	ssyncset.done $0x0  }
0xa8: {  	s25 =	simm.s32 $0x1B8E;
	s24 =	sld [smem:$0x3FFE];
	[sflag:s23] =	ssyncadd.s32 $0xFFFFFFFF  }
0xa9: {  	s26 =	simm.s32 $execute0_lowered;
	[smem:$0x3FD2] =	sst s25  }
0xaa: {  	s9 =	sshll.u32 s26, $0x1;
	_ =	strace $0x80000046;
	[dreg:$0x1] =	wrdreg $0xFFFFFFFF  }
0xab: {  	s28 =	simm.s32 $_size_execute0_lowered;
	s7 =	sadd.s32 s7, s9;
	[dreg:$0x0] =	wrdreg $0x0  }
0xac: {  	s9 =	sshll.u32 s28, $0x1;
	[dreg:$0x2] =	wrdreg s7  }
0xad: {  	[dreg:$0x3] =	wrdreg s9  }
0xae: {  	[dreg:$0x4] =	wrdreg $0xC0  }
0xaf: {  	_ =	task [dreg:s11], $0x5FFFF  }
0xb0: {  	[dreg:$0x1] =	wrdreg $0xFFFFFFFF  }
0xb1: {  	[dreg:$0x0] =	wrdreg $0x60  }
0xb2: {  	[dreg:$0x2] =	wrdreg s4  }
0xb3: {  	[dreg:$0x3] =	wrdreg s5  }
0xb4: {  	[dreg:$0x4] =	wrdreg s2  }
0xb5: {  	[dreg:$0x5] =	wrdreg s18  }
0xb6: {  	[dreg:$0x6] =	wrdreg s6  }
0xb7: {  	[dreg:$0x7] =	wrdreg s24  }
0xb8: {  	[dreg:$0x8] =	wrdreg $0x9  }
0xb9: {  	_ =	task.clear_ibuf [dreg:s11], $0x9FFFF;
	_ =	strace $0x90000046  }
0xba: {  	s29 =	simm.s32 $0x9;
	_ =	strace $0x80000048  }
0xbb: {  	_ =	swait.ge [sflag:s29], $0x1  }
0xbc: {  	[sflag:s29] =	ssyncadd.s32 $0xFFFFFFFF  }
0xbd: {  	_ =	strace $0x90000048  }
0xbe: {  	_ =	sfence  }
0xbf: {  	s30 =	sld [smem:$0x0];
	_ =	sdelay $0x2  }
0xc0: {  	s31 =	sshll.u32 s1, $0xD;
	s1 =	sshrl.u32 s1, $0x2  }
0xc1: {  	s3 =	sand.u32 $0x4000, s31;
	s1 =	sadd.s32 s1, s30  }
0xc2: {  	s0 =	sor.u32 s3, s0;
	s1 =	sshll.u32 s1, $0x11  }
0xc3: {  	s0 =	sor.u32 s1, s0  }
0xc4: {  	s0 =	sadd.s32 $0x8F2B, s0  }
0xc5: {  	[sflag:s0] =	ssyncadd.remote.s32 $0x1  }
0xc6: {  	_ =	sfence.sel $0xFFFF  }
0xc7: {  	[dreg:$0x0] =	wrdreg $0xFFFFFFFF;
	(pc) =	sbr.abs _section_cstart, $3  }
0xc8: {  	[dreg:$0x1] =	wrdreg $0xFFFFFFFF  }
0xc9: {  	_ =	task.clear_ibuf [dreg:s11], $0x2FFFF;
	_ =	strace $0x9FFFFFFF  }
0xca: {  	(tm) =	ssettm $0x7FFFFFFF  }
0xcb: {  	_ =	shalt  }
tec
execute0_lowered:
.L_overlay_start_1:
0x0: {  	(tag) =	ssettag $0x1  }
0x1: {  	s0 =	rddreg [dreg:$0x0]  }
0x2: {  	s2 =	rddreg [dreg:$0x1]  }
0x3: {  	s5 =	rddreg [dreg:$0x2]  }
0x4: {  	s7 =	rddreg [dreg:$0x3]  }
0x5: {  	s6 =	rddreg [dreg:$0x4]  }
0x6: {  	s8 =	rddreg [dreg:$0x5];
	s4 =	srdreg.scid  }
0x7: {  	s1 =	rddreg [dreg:$0x6];
	s3 =	stileid.u32  }
0x8: {  	s13 =	simm.s32 $0x1080;
	s14 =	simm.s32 $0x1880;
	s15 =	simm.s32 $0x2080  }
0x9: {  	s16 =	simm.s32 $0x2880;
	s17 =	simm.s32 $0x3080;
	s18 =	simm.s32 $0x3880  }
0xa: {  	s19 =	simm.s32 $0x4080;
	s20 =	simm.s32 $0x4880;
	s21 =	simm.s32 $0x5080  }
0xb: {  	s22 =	simm.s32 $0x5880;
	s23 =	simm.s32 $0x6080;
	s24 =	simm.s32 $0x6880  }
0xc: {  	s25 =	simm.s32 $0x7080;
	s26 =	simm.s32 $0x7880;
	s28 =	simm.s32 $0x1  }
0xd: {  	s9 =	sand.u32 $0x1, s4;
	s4 =	simm.s32 $0x0;
	s10 =	sshll.u32 s3, $0x8  }
0xe: {  	s11 =	sshll.u32 s9, $0x7;
	[smem:$0x7FF] =	sst s4;
	s9 =	ssub.s32 $0x2, s9  }
0xf: {  	s10 =	sor.u32 s11, s10;
	_ =	strace $0x80000047;
	s12 =	sshrl.u32 s9, $0x1  }
0x10: {  	s11 =	sshll.u32 s10, $0x5;
	s10 =	sshrl.u32 s10, $0x3;
	s9 =	ssub.s32 s9, s12  }
0x11: {  	v2 =	vlaneseq.u32;
	s12 =	simm.s32 $0x880;
	s8 =	sadd.s32 s11, s8;
	s5 =	sadd.s32 s5, s10  }
0x12: {  	vm0 =	vmmov $0xffff;
	v1 =	vshrl.u32 v2, $0x3;
	s6 =	sadd.s32 s6, s11;
	s7 =	sadd.s32 s7, s10;
	s9 =	smax.u32 s9, $0x1  }
0x13: {  	v0 =	vand.u32 $0x7, v2;
	v2 =	vor.u32 $0x8, v2;
	v1 =	vmul.u32 $0x8, v1;
	s10 =	simm.s32 $0x2;
	s11 =	simm.s32 $0x80;
	s8 =	sadd.s32 $0x2E00, s8  }
.LBB2_1:
0x14: {  	[tilespmem:s4], [sflag:$0x2] =	stream.linear.gather [hbm4b:s5+s4], $0x80, $0x38;
	[tilespmem:$0x8080] =	vst v63  }
0x15: {  	_ =	swait.ge [sflag:s10], $0x80  }
0x16: {  	[sflag:s10] =	ssyncset.done $0x0  }
0x17: {  	[sflag:s10] =	ssyncadd.s32 $0xFFFFFF80  }
0x18: {  	v3 =	vld [tilespmem:$0x0];
	_ =	sdelay $0x4  }
0x19: {  	v4 =	vshll.u32 v3, $0x1  }
0x1a: {  	v3 =	vand.u32 $0x7, v3;
	v4 =	vand.u32 $0xFFFFFFF0, v4  }
0x1b: {  	v3 =	vor.u32 v3, v4  }
0x1c: {  	v4 =	vperm.xlane v3, v0;
	_ =	sdelay $0x1  }
0x1d: {  	v3 =	vperm.xlane v3, v2;
	v4 =	vadd.s32 v1, v4;
	_ =	sdelay $0x1  }
0x1e: {  	v3 =	vadd.s32 v1, v3;
	_ =	sdelay $0x2  }
0x1f: {  	[tilespmem:s11], [sflag:$0x1] =	stream.indirect_vreg.gather [hbm4b:s0+s4], $0x80, v4, vm0, $0xb8;
	[tilespmem:$0x8080] =	vst v63  }
0x20: {  	_ = 	snop  }
0x21: {  	[tilespmem:s12], [sflag:$0x1] =	stream.indirect_vreg.gather [hbm4b:s0+s4], $0x80, v3, vm0, $0xb8;
	[tilespmem:$0x8080] =	vst v63  }
0x22: {  	v3 =	vld [tilespmem:$0x10];
	_ =	sdelay $0x4  }
0x23: {  	v49 =	vshll.u32 v3, $0x1  }
0x24: {  	v3 =	vand.u32 $0x7, v3;
	v4 =	vand.u32 $0xFFFFFFF0, v49  }
0x25: {  	v3 =	vor.u32 v3, v4  }
0x26: {  	v4 =	vperm.xlane v3, v0;
	_ =	sdelay $0x1  }
0x27: {  	v3 =	vperm.xlane v3, v2;
	v4 =	vadd.s32 v1, v4;
	_ =	sdelay $0x1  }
0x28: {  	v3 =	vadd.s32 v1, v3;
	_ =	sdelay $0x2  }
0x29: {  	[tilespmem:s13], [sflag:$0x1] =	stream.indirect_vreg.gather [hbm4b:s0+s4], $0x80, v4, vm0, $0xb8;
	[tilespmem:$0x8080] =	vst v63  }
0x2a: {  	_ = 	snop  }
0x2b: {  	[tilespmem:s14], [sflag:$0x1] =	stream.indirect_vreg.gather [hbm4b:s0+s4], $0x80, v3, vm0, $0xb8;
	[tilespmem:$0x8080] =	vst v63  }
0x2c: {  	v3 =	vld [tilespmem:$0x20];
	_ =	sdelay $0x4  }
0x2d: {  	v50 =	vshll.u32 v3, $0x1  }
0x2e: {  	v3 =	vand.u32 $0x7, v3;
	v4 =	vand.u32 $0xFFFFFFF0, v50  }
0x2f: {  	v3 =	vor.u32 v3, v4  }
0x30: {  	v4 =	vperm.xlane v3, v0;
	_ =	sdelay $0x1  }
0x31: {  	v3 =	vperm.xlane v3, v2;
	v4 =	vadd.s32 v1, v4;
	_ =	sdelay $0x1  }
0x32: {  	v3 =	vadd.s32 v1, v3;
	_ =	sdelay $0x2  }
0x33: {  	[tilespmem:s15], [sflag:$0x1] =	stream.indirect_vreg.gather [hbm4b:s0+s4], $0x80, v4, vm0, $0xb8;
	[tilespmem:$0x8080] =	vst v63  }
0x34: {  	_ = 	snop  }
0x35: {  	[tilespmem:s16], [sflag:$0x1] =	stream.indirect_vreg.gather [hbm4b:s0+s4], $0x80, v3, vm0, $0xb8;
	[tilespmem:$0x8080] =	vst v63  }
0x36: {  	v3 =	vld [tilespmem:$0x30];
	_ =	sdelay $0x4  }
0x37: {  	v51 =	vshll.u32 v3, $0x1  }
0x38: {  	v3 =	vand.u32 $0x7, v3;
	v4 =	vand.u32 $0xFFFFFFF0, v51  }
0x39: {  	v3 =	vor.u32 v3, v4  }
0x3a: {  	v4 =	vperm.xlane v3, v0;
	_ =	sdelay $0x1  }
0x3b: {  	v3 =	vperm.xlane v3, v2;
	v4 =	vadd.s32 v1, v4;
	_ =	sdelay $0x1  }
0x3c: {  	v3 =	vadd.s32 v1, v3;
	_ =	sdelay $0x2  }
0x3d: {  	[tilespmem:s17], [sflag:$0x1] =	stream.indirect_vreg.gather [hbm4b:s0+s4], $0x80, v4, vm0, $0xb8;
	[tilespmem:$0x8080] =	vst v63  }
0x3e: {  	_ = 	snop  }
0x3f: {  	[tilespmem:s18], [sflag:$0x1] =	stream.indirect_vreg.gather [hbm4b:s0+s4], $0x80, v3, vm0, $0xb8;
	[tilespmem:$0x8080] =	vst v63  }
0x40: {  	v3 =	vld [tilespmem:$0x40];
	_ =	sdelay $0x4  }
0x41: {  	v52 =	vshll.u32 v3, $0x1  }
0x42: {  	v3 =	vand.u32 $0x7, v3;
	v4 =	vand.u32 $0xFFFFFFF0, v52  }
0x43: {  	v3 =	vor.u32 v3, v4  }
0x44: {  	v4 =	vperm.xlane v3, v0;
	_ =	sdelay $0x1  }
0x45: {  	v3 =	vperm.xlane v3, v2;
	v4 =	vadd.s32 v1, v4;
	_ =	sdelay $0x1  }
0x46: {  	v3 =	vadd.s32 v1, v3;
	_ =	sdelay $0x2  }
0x47: {  	[tilespmem:s19], [sflag:$0x1] =	stream.indirect_vreg.gather [hbm4b:s0+s4], $0x80, v4, vm0, $0xb8;
	[tilespmem:$0x8080] =	vst v63  }
0x48: {  	_ = 	snop  }
0x49: {  	[tilespmem:s20], [sflag:$0x1] =	stream.indirect_vreg.gather [hbm4b:s0+s4], $0x80, v3, vm0, $0xb8;
	[tilespmem:$0x8080] =	vst v63  }
0x4a: {  	v3 =	vld [tilespmem:$0x50];
	_ =	sdelay $0x4  }
0x4b: {  	v53 =	vshll.u32 v3, $0x1  }
0x4c: {  	v3 =	vand.u32 $0x7, v3;
	v4 =	vand.u32 $0xFFFFFFF0, v53  }
0x4d: {  	v3 =	vor.u32 v3, v4  }
0x4e: {  	v4 =	vperm.xlane v3, v0;
	_ =	sdelay $0x1  }
0x4f: {  	v3 =	vperm.xlane v3, v2;
	v4 =	vadd.s32 v1, v4;
	_ =	sdelay $0x1  }
0x50: {  	v3 =	vadd.s32 v1, v3;
	_ =	sdelay $0x2  }
0x51: {  	[tilespmem:s21], [sflag:$0x1] =	stream.indirect_vreg.gather [hbm4b:s0+s4], $0x80, v4, vm0, $0xb8;
	[tilespmem:$0x8080] =	vst v63  }
0x52: {  	_ = 	snop  }
0x53: {  	[tilespmem:s22], [sflag:$0x1] =	stream.indirect_vreg.gather [hbm4b:s0+s4], $0x80, v3, vm0, $0xb8;
	[tilespmem:$0x8080] =	vst v63  }
0x54: {  	v3 =	vld [tilespmem:$0x60];
	_ =	sdelay $0x4  }
0x55: {  	v54 =	vshll.u32 v3, $0x1  }
0x56: {  	v3 =	vand.u32 $0x7, v3;
	v4 =	vand.u32 $0xFFFFFFF0, v54  }
0x57: {  	v3 =	vor.u32 v3, v4  }
0x58: {  	v4 =	vperm.xlane v3, v0;
	_ =	sdelay $0x1  }
0x59: {  	v3 =	vperm.xlane v3, v2;
	v4 =	vadd.s32 v1, v4;
	_ =	sdelay $0x1  }
0x5a: {  	v3 =	vadd.s32 v1, v3;
	_ =	sdelay $0x2  }
0x5b: {  	[tilespmem:s23], [sflag:$0x1] =	stream.indirect_vreg.gather [hbm4b:s0+s4], $0x80, v4, vm0, $0xb8;
	[tilespmem:$0x8080] =	vst v63  }
0x5c: {  	_ = 	snop  }
0x5d: {  	[tilespmem:s24], [sflag:$0x1] =	stream.indirect_vreg.gather [hbm4b:s0+s4], $0x80, v3, vm0, $0xb8;
	[tilespmem:$0x8080] =	vst v63  }
0x5e: {  	v3 =	vld [tilespmem:$0x70];
	_ =	sdelay $0x4  }
0x5f: {  	v55 =	vshll.u32 v3, $0x1  }
0x60: {  	v3 =	vand.u32 $0x7, v3;
	v4 =	vand.u32 $0xFFFFFFF0, v55  }
0x61: {  	v3 =	vor.u32 v3, v4  }
0x62: {  	v4 =	vperm.xlane v3, v0;
	_ =	sdelay $0x1  }
0x63: {  	v3 =	vperm.xlane v3, v2;
	v4 =	vadd.s32 v1, v4;
	_ =	sdelay $0x1  }
0x64: {  	v3 =	vadd.s32 v1, v3;
	_ =	sdelay $0x2  }
0x65: {  	[tilespmem:s25], [sflag:$0x1] =	stream.indirect_vreg.gather [hbm4b:s0+s4], $0x80, v4, vm0, $0xb8;
	[tilespmem:$0x8080] =	vst v63  }
0x66: {  	_ = 	snop  }
0x67: {  	[tilespmem:s26], [sflag:$0x1] =	stream.indirect_vreg.gather [hbm4b:s0+s4], $0x80, v3, vm0, $0xb8;
	[tilespmem:$0x8080] =	vst v63  }
0x68: {  	_ =	swait.ge [sflag:s28], $0x8000  }
0x69: {  	[sflag:s28] =	ssyncset.done $0x0  }
0x6a: {  	[sflag:s28] =	ssyncadd.s32 $0xFFFF8000  }
0x6b: {  	[hbm4b:s6+s4] =	stream.linear.scatter [tilespmem:s11], [sflag:$0x2], $0x8000, $0x38;
	[tilespmem:$0x8080] =	vst v63  }
0x6c: {  	_ =	swait.ge [sflag:s10], $0x8000  }
0x6d: {  	[sflag:s10] =	ssyncset.done $0x0  }
0x6e: {  	[sflag:s10] =	ssyncadd.s32 $0xFFFF8000  }
0x6f: {  	[tilespmem:s4], [sflag:$0x2] =	stream.linear.gather [hbm4b:s7+s4], $0x80, $0x38;
	[tilespmem:$0x8080] =	vst v63  }
0x70: {  	_ =	swait.ge [sflag:s10], $0x80  }
0x71: {  	[sflag:s10] =	ssyncset.done $0x0  }
0x72: {  	[sflag:s10] =	ssyncadd.s32 $0xFFFFFF80  }
0x73: {  	v3 =	vld [tilespmem:$0x0];
	_ =	sdelay $0x4  }
0x74: {  	v56 =	vshll.u32 v3, $0x1  }
0x75: {  	v3 =	vand.u32 $0x7, v3;
	v4 =	vand.u32 $0xFFFFFFF0, v56  }
0x76: {  	v3 =	vor.u32 v3, v4  }
0x77: {  	v4 =	vperm.xlane v3, v0;
	_ =	sdelay $0x1  }
0x78: {  	v3 =	vperm.xlane v3, v2;
	v4 =	vadd.s32 v1, v4;
	_ =	sdelay $0x1  }
0x79: {  	v3 =	vadd.s32 v1, v3;
	_ =	sdelay $0x2  }
0x7a: {  	[tilespmem:s11], [sflag:$0x1] =	stream.indirect_vreg.gather [hbm4b:s2+s4], $0x80, v4, vm0, $0xb8;
	[tilespmem:$0x8080] =	vst v63  }
0x7b: {  	_ = 	snop  }
0x7c: {  	[tilespmem:s12], [sflag:$0x1] =	stream.indirect_vreg.gather [hbm4b:s2+s4], $0x80, v3, vm0, $0xb8;
	[tilespmem:$0x8080] =	vst v63  }
0x7d: {  	v3 =	vld [tilespmem:$0x10];
	_ =	sdelay $0x4  }
0x7e: {  	v57 =	vshll.u32 v3, $0x1  }
0x7f: {  	v3 =	vand.u32 $0x7, v3;
	v4 =	vand.u32 $0xFFFFFFF0, v57  }
0x80: {  	v3 =	vor.u32 v3, v4  }
0x81: {  	v4 =	vperm.xlane v3, v0;
	_ =	sdelay $0x1  }
0x82: {  	v3 =	vperm.xlane v3, v2;
	v4 =	vadd.s32 v1, v4;
	_ =	sdelay $0x1  }
0x83: {  	v3 =	vadd.s32 v1, v3;
	_ =	sdelay $0x2  }
0x84: {  	[tilespmem:s13], [sflag:$0x1] =	stream.indirect_vreg.gather [hbm4b:s2+s4], $0x80, v4, vm0, $0xb8;
	[tilespmem:$0x8080] =	vst v63  }
0x85: {  	_ = 	snop  }
0x86: {  	[tilespmem:s14], [sflag:$0x1] =	stream.indirect_vreg.gather [hbm4b:s2+s4], $0x80, v3, vm0, $0xb8;
	[tilespmem:$0x8080] =	vst v63  }
0x87: {  	v3 =	vld [tilespmem:$0x20];
	_ =	sdelay $0x4  }
0x88: {  	v58 =	vshll.u32 v3, $0x1  }
0x89: {  	v3 =	vand.u32 $0x7, v3;
	v4 =	vand.u32 $0xFFFFFFF0, v58  }
0x8a: {  	v3 =	vor.u32 v3, v4  }
0x8b: {  	v4 =	vperm.xlane v3, v0;
	_ =	sdelay $0x1  }
0x8c: {  	v3 =	vperm.xlane v3, v2;
	v4 =	vadd.s32 v1, v4;
	_ =	sdelay $0x1  }
0x8d: {  	v3 =	vadd.s32 v1, v3;
	_ =	sdelay $0x2  }
0x8e: {  	[tilespmem:s15], [sflag:$0x1] =	stream.indirect_vreg.gather [hbm4b:s2+s4], $0x80, v4, vm0, $0xb8;
	[tilespmem:$0x8080] =	vst v63  }
0x8f: {  	_ = 	snop  }
0x90: {  	[tilespmem:s16], [sflag:$0x1] =	stream.indirect_vreg.gather [hbm4b:s2+s4], $0x80, v3, vm0, $0xb8;
	[tilespmem:$0x8080] =	vst v63  }
0x91: {  	v3 =	vld [tilespmem:$0x30];
	_ =	sdelay $0x4  }
0x92: {  	v59 =	vshll.u32 v3, $0x1  }
0x93: {  	v3 =	vand.u32 $0x7, v3;
	v4 =	vand.u32 $0xFFFFFFF0, v59  }
0x94: {  	v3 =	vor.u32 v3, v4  }
0x95: {  	v4 =	vperm.xlane v3, v0;
	_ =	sdelay $0x1  }
0x96: {  	v3 =	vperm.xlane v3, v2;
	v4 =	vadd.s32 v1, v4;
	_ =	sdelay $0x1  }
0x97: {  	v3 =	vadd.s32 v1, v3;
	_ =	sdelay $0x2  }
0x98: {  	[tilespmem:s17], [sflag:$0x1] =	stream.indirect_vreg.gather [hbm4b:s2+s4], $0x80, v4, vm0, $0xb8;
	[tilespmem:$0x8080] =	vst v63  }
0x99: {  	_ = 	snop  }
0x9a: {  	[tilespmem:s18], [sflag:$0x1] =	stream.indirect_vreg.gather [hbm4b:s2+s4], $0x80, v3, vm0, $0xb8;
	[tilespmem:$0x8080] =	vst v63  }
0x9b: {  	v3 =	vld [tilespmem:$0x40];
	_ =	sdelay $0x4  }
0x9c: {  	v60 =	vshll.u32 v3, $0x1  }
0x9d: {  	v3 =	vand.u32 $0x7, v3;
	v4 =	vand.u32 $0xFFFFFFF0, v60  }
0x9e: {  	v3 =	vor.u32 v3, v4  }
0x9f: {  	v4 =	vperm.xlane v3, v0;
	_ =	sdelay $0x1  }
0xa0: {  	v3 =	vperm.xlane v3, v2;
	v4 =	vadd.s32 v1, v4;
	_ =	sdelay $0x1  }
0xa1: {  	v3 =	vadd.s32 v1, v3;
	_ =	sdelay $0x2  }
0xa2: {  	[tilespmem:s19], [sflag:$0x1] =	stream.indirect_vreg.gather [hbm4b:s2+s4], $0x80, v4, vm0, $0xb8;
	[tilespmem:$0x8080] =	vst v63  }
0xa3: {  	_ = 	snop  }
0xa4: {  	[tilespmem:s20], [sflag:$0x1] =	stream.indirect_vreg.gather [hbm4b:s2+s4], $0x80, v3, vm0, $0xb8;
	[tilespmem:$0x8080] =	vst v63  }
0xa5: {  	v3 =	vld [tilespmem:$0x50];
	_ =	sdelay $0x4  }
0xa6: {  	v61 =	vshll.u32 v3, $0x1  }
0xa7: {  	v3 =	vand.u32 $0x7, v3;
	v4 =	vand.u32 $0xFFFFFFF0, v61  }
0xa8: {  	v3 =	vor.u32 v3, v4  }
0xa9: {  	v4 =	vperm.xlane v3, v0;
	_ =	sdelay $0x1  }
0xaa: {  	v3 =	vperm.xlane v3, v2;
	v4 =	vadd.s32 v1, v4;
	_ =	sdelay $0x1  }
0xab: {  	v3 =	vadd.s32 v1, v3;
	_ =	sdelay $0x2  }
0xac: {  	[tilespmem:s21], [sflag:$0x1] =	stream.indirect_vreg.gather [hbm4b:s2+s4], $0x80, v4, vm0, $0xb8;
	[tilespmem:$0x8080] =	vst v63  }
0xad: {  	_ = 	snop  }
0xae: {  	[tilespmem:s22], [sflag:$0x1] =	stream.indirect_vreg.gather [hbm4b:s2+s4], $0x80, v3, vm0, $0xb8;
	[tilespmem:$0x8080] =	vst v63  }
0xaf: {  	v3 =	vld [tilespmem:$0x60];
	_ =	sdelay $0x4  }
0xb0: {  	v62 =	vshll.u32 v3, $0x1  }
0xb1: {  	v3 =	vand.u32 $0x7, v3;
	v4 =	vand.u32 $0xFFFFFFF0, v62  }
0xb2: {  	v3 =	vor.u32 v3, v4  }
0xb3: {  	v4 =	vperm.xlane v3, v0;
	_ =	sdelay $0x1  }
0xb4: {  	v3 =	vperm.xlane v3, v2;
	v4 =	vadd.s32 v1, v4;
	_ =	sdelay $0x1  }
0xb5: {  	v3 =	vadd.s32 v1, v3;
	_ =	sdelay $0x2  }
0xb6: {  	[tilespmem:s23], [sflag:$0x1] =	stream.indirect_vreg.gather [hbm4b:s2+s4], $0x80, v4, vm0, $0xb8;
	[tilespmem:$0x8080] =	vst v63  }
0xb7: {  	_ = 	snop  }
0xb8: {  	[tilespmem:s24], [sflag:$0x1] =	stream.indirect_vreg.gather [hbm4b:s2+s4], $0x80, v3, vm0, $0xb8;
	[tilespmem:$0x8080] =	vst v63  }
0xb9: {  	v3 =	vld [tilespmem:$0x70];
	_ =	sdelay $0x4  }
0xba: {  	v63 =	vshll.u32 v3, $0x1  }
0xbb: {  	v3 =	vand.u32 $0x7, v3;
	v4 =	vand.u32 $0xFFFFFFF0, v63  }
0xbc: {  	v3 =	vor.u32 v3, v4  }
0xbd: {  	v4 =	vperm.xlane v3, v0;
	_ =	sdelay $0x1  }
0xbe: {  	v3 =	vperm.xlane v3, v2;
	v4 =	vadd.s32 v1, v4;
	_ =	sdelay $0x1  }
0xbf: {  	v3 =	vadd.s32 v1, v3;
	_ =	sdelay $0x2  }
0xc0: {  	[tilespmem:s25], [sflag:$0x1] =	stream.indirect_vreg.gather [hbm4b:s2+s4], $0x80, v4, vm0, $0xb8;
	[tilespmem:$0x8080] =	vst v63  }
0xc1: {  	_ = 	snop  }
0xc2: {  	[tilespmem:s26], [sflag:$0x1] =	stream.indirect_vreg.gather [hbm4b:s2+s4], $0x80, v3, vm0, $0xb8;
	[tilespmem:$0x8080] =	vst v63  }
0xc3: {  	_ =	swait.ge [sflag:s28], $0x8000  }
0xc4: {  	p0 =	sne.s32 s9, $0x1;
	[sflag:s28] =	ssyncset.done $0x0  }
.Ltmp0:
0xc5: {  	[sflag:s28] =	ssyncadd.s32 $0xFFFF8000;
	(pc) =	sbr.rel @p0 .LBB2_1-.Ltmp0, $4  }
0xc6: {  	[hbm4b:s8+s4] =	stream.linear.scatter [tilespmem:s11], [sflag:$0x2], $0x8000, $0x38;
	[tilespmem:$0x8080] =	vst v63  }
0xc7: {  	_ =	swait.ge [sflag:s10], $0x8000  }
0xc8: {  	[sflag:s10] =	ssyncset.done $0x0  }
0xc9: {  	s9 =	sadd.s32 $0xFFFFFFFF, s9;
	[sflag:s10] =	ssyncadd.s32 $0xFFFF8000  }
0xca: {  	_ =	sfence.sel $0x180000  }
0xcb: {  	[bflag:$0x0] =	sbarrier.arrive $0xFFFF  }
0xcc: {  	p0 =	sne.s32 s3, $0x0;
	_ =	strace $0x90000047  }
0xcd: {  	s0 =	sadd.s32 @!p0 $0x100000, s1;
	[bflag:$0x2] =	sbarrier.arrive $0xFFFF  }
0xce: {  	[sflag:s0] =	ssyncadd.tile.s32 @!p0 $0x1;
	_ =	shalt  }
.Lfunc_end2:
_tile_overlayer_lowered:
.L_overlay_start_2:
0xcf: {  	(tag) =	ssettag $0x2  }
0xd0: {  	s0 =	rddreg [dreg:$0x0];
	s2 =	stileid.u32  }
0xd1: {  	s1 =	rddreg [dreg:$0x1];
	p0 =	sne.s32 s2, $0x0  }
0xd2: {  	s3 =	rddreg [dreg:$0x2];
	[bflag:$0x3] =	sbarrier.arrive $0xFFFF;
	s2 =	simm.s32 @!p0 $0x1C02  }
0xd3: {  	[timem:s3], [sflag:s2] =	dma.local @!p0 [hbm:s0], s1  }
0xd4: {  	s0 =	simm.s32 @!p0 $0x2  }
0xd5: {  	_ =	swait.ge @!p0 [sflag:s0], s1  }
0xd6: {  	s1 =	ssub.s32 @!p0 $0x0, s1;
	[sflag:s0] =	ssyncset.done @!p0 $0x0  }
0xd7: {  	[sflag:s0] =	ssyncadd.s32 @!p0 s1  }
0xd8: {  	[bflag:$0x3] =	sbarrier.arrive $0xFFFF  }
0xd9: {  	_ =	shalt  }

</sc_bundles>
